<compile_context>
chip_gen: v7x
topology: tpu7x:2x2x1
jax: 0.10.2.dev20260603
libtpu: 0.0.44.dev20260713+nightly
codegen_flags: <defaults>
</compile_context>

<pallas_src>
import functools

import jax
import jax.numpy as jnp
from jax import lax
from jax.experimental import pallas as pl
from jax.experimental.pallas import tpu as pltpu
from jax.experimental.pallas import tpu_sc as plsc

P = 256
K = 8
LIM = 5

_neg_idx_cache = {}


def _neg_indices(n):
    if n not in _neg_idx_cache:
        kn = jax.random.key(42)
        _neg_idx_cache[n] = jax.random.choice(kn, n, shape=(P,), replace=False)
    return _neg_idx_cache[n]


def _make_sc_gather(cf, n):
    chalf = cf // 2
    mesh = plsc.VectorSubcoreMesh(core_axis_name="c", subcore_axis_name="s")

    @functools.partial(
        pl.kernel, mesh=mesh,
        out_type=jax.ShapeDtypeStruct((2, 16, chalf * 16), jnp.float32),
        scratch_types=[
            pltpu.VMEM((16,), jnp.int32),
            pltpu.VMEM((chalf * 16,), jnp.int32),
            pltpu.VMEM((chalf * 16,), jnp.float32),
            pltpu.SemaphoreType.DMA,
        ],
    )
    def _gather(f1flat_hbm, idx_hbm, out_hbm, idx_v, flatidx_v, vals_v, sem):
        g = lax.axis_index("s")
        co = lax.axis_index("c")
        pltpu.sync_copy(idx_hbm.at[pl.ds(g * 16, 16)], idx_v)
        idx16 = idx_v[...]
        for cc in range(chalf):
            flatidx_v[pl.ds(cc * 16, 16)] = (co * chalf + cc) * n + idx16
        pltpu.async_copy(f1flat_hbm.at[flatidx_v], vals_v, sem).wait()
        pltpu.sync_copy(vals_v, out_hbm.at[co, g])

    return _gather


def _dist_topk_body(idx_ref, a_ref, f2_ref, out_ref, topk_ref, cand_ref,
                    *, chunk, nsteps, w):
    step = pl.program_id(0)

    @pl.when(step == 0)
    def _init():
        topk_ref[...] = jnp.full((P, K), jnp.inf, jnp.float32)

    a = a_ref[...]
    a2 = jnp.sum(a * a, axis=1, keepdims=True)
    rows = chunk // w
    idx = idx_ref[...]

    t = topk_ref[:, K - 1:K]
    cnt = jnp.zeros((P, 1), jnp.float32)
    for r in range(rows):
        f2r = f2_ref[:, r, :]
        b2 = jnp.sum(f2r * f2r, axis=0, keepdims=True)
        ab = jnp.dot(a, f2r, preferred_element_type=jnp.float32,
                     precision=jax.lax.Precision.DEFAULT)
        d = jax.nn.relu(a2 + b2 - 2.0 * ab)
        j = (step * chunk + r * w
             + jax.lax.broadcasted_iota(jnp.int32, (P, w), 1))
        q = j - idx + (w * LIM + LIM)
        excl = (j > 0) & (q >= 0) & (q < w * 2 * LIM) & ((q & (w - 1)) < 2 * LIM)
        d = jnp.where(excl, d + 1e9, d)
        below = d < t
        cand_ref[:, r * w:(r + 1) * w] = jnp.where(below, d, jnp.inf)
        cnt = cnt + jnp.sum(jnp.where(below, 1.0, 0.0), axis=1, keepdims=True)
    lane = jax.lax.broadcasted_iota(jnp.int32, (P, chunk), 1)
    cmax = jnp.minimum(jnp.max(cnt), float(K))

    for i in range(K):
        @pl.when(i < cmax)
        def _extract():
            cv = cand_ref[...]
            m = jnp.min(cv, axis=1, keepdims=True)
            tk = topk_ref[...]
            shifted = jnp.concatenate(
                [jnp.full((P, 1), -jnp.inf, jnp.float32), tk[:, :K - 1]], axis=1)
            topk_ref[...] = jnp.minimum(jnp.maximum(shifted, m), tk)
            sel = jnp.min(jnp.where(cv == m, lane, chunk), axis=1, keepdims=True)
            cand_ref[...] = jnp.where(lane == sel, jnp.inf, cv)

    @pl.when(step == nsteps - 1)
    def _finish():
        out_ref[...] = -jnp.sum(topk_ref[...], axis=(0, 1), keepdims=True) / (P * K)


def kernel(feats1, feats2, positive_pairs):
    b, c, h, w = feats1.shape
    n = h * w
    f2_3d = feats2.reshape(c, h, w)
    neg_idx = _neg_indices(n)
    f1flat = feats1.reshape(c * n)
    ag = _make_sc_gather(c, n)(f1flat, neg_idx.astype(jnp.int32))
    anchors = ag.reshape(2, 16, c // 2, 16).transpose(1, 3, 0, 2).reshape(P, c)
    idx2d = neg_idx.reshape(P, 1).astype(jnp.int32)

    rows_per_step = 8
    chunk = rows_per_step * w
    nsteps = n // chunk
    body = functools.partial(_dist_topk_body, chunk=chunk, nsteps=nsteps, w=w)
    out = pl.pallas_call(
        body,
        grid=(nsteps,),
        in_specs=[
            pl.BlockSpec((P, 1), lambda i: (0, 0)),
            pl.BlockSpec((P, c), lambda i: (0, 0)),
            pl.BlockSpec((c, rows_per_step, w), lambda i: (0, i, 0)),
        ],
        out_specs=pl.BlockSpec((1, 1), lambda i: (0, 0)),
        out_shape=jax.ShapeDtypeStruct((1, 1), jnp.float32),
        scratch_shapes=[
            pltpu.VMEM((P, K), jnp.float32),
            pltpu.VMEM((P, chunk), jnp.float32),
        ],
    )(idx2d, anchors, f2_3d)
    return out[0, 0]

# --- scband reference (transcript-rebuilt; emitter-appended) ---
"""Pipeline reference for scband-negative-hardest-contrastive-loss-30734785970683 (READ-ONLY COPY).

The authoritative reference and input builder live on the scoring server;
editing this copy changes nothing except your own understanding.
"""

import jax, jax.numpy as jnp
import numpy as np

NUM_NEG_PAIRS = 256
NUM_NEG_INDICES_FOR_LOSS = 8
PIXEL_LIMIT = 5


def setup_inputs(seed: int = 0) -> dict:
    key = jax.random.key(seed)
    k1, k2, k3 = jax.random.split(key, 3)
    B, C, H, W = 1, 96, 512, 512
    feats1 = jax.random.normal(k1, (B, C, H, W), dtype=jnp.float32)
    feats2 = jax.random.normal(k2, (B, C, H, W), dtype=jnp.float32)
    positive_pairs = jax.random.randint(k3, (1024, 2), 0, H * W, dtype=jnp.int32)
    return {"feats1": feats1, "feats2": feats2, "positive_pairs": positive_pairs}


def reference(feats1, feats2, positive_pairs):
    B, C, H, W = feats1.shape
    f1 = feats1.reshape(C, -1)
    f2 = feats2.reshape(C, -1)
    N = f1.shape[-1]
    # deterministic stand-in for np.random.choice(N, NUM_NEG_PAIRS, replace=False)
    kn = jax.random.key(42)
    neg_idx = jax.random.choice(kn, N, shape=(NUM_NEG_PAIRS,), replace=False)
    anchors = jnp.take(f1, neg_idx, axis=1)  # gather: [C, P]
    # squared euclidean distances of each anchor to all feats2 pixels: [P, N]
    a2 = jnp.sum(anchors * anchors, axis=0)
    b2 = jnp.sum(f2 * f2, axis=0)
    dist = jax.nn.relu(a2[:, None] + b2[None, :] - 2.0 * (anchors.T @ f2))
    # spatial exclusion mask around each anchor (PIXEL_LIMIT window), as in the torch code
    L = PIXEL_LIMIT
    ii = jnp.arange(2 * L)
    offs = (W * (ii - L))[:, None] + jnp.arange(-L, L)[None, :]
    offs = offs.reshape(-1)  # [4*L*L]
    pos = neg_idx[:, None] + offs[None, :]  # [P, M]
    valid = (pos > 0) & (pos < N)
    pos_c = jnp.clip(pos, 0, N - 1)
    rows = jnp.broadcast_to(jnp.arange(NUM_NEG_PAIRS)[:, None], pos_c.shape)
    dist = dist.at[rows, pos_c].add(jnp.where(valid, 1e9, 0.0))  # scatter-add to exclude neighbors
    # hardest negatives: smallest distances => largest -dist; loss stores -dist (as in torch code)
    neg_top, _ = jax.lax.top_k(-dist, NUM_NEG_INDICES_FOR_LOSS)  # [P, K]
    negative_loss = jnp.mean(neg_top, axis=1)  # [P]
    return jnp.mean(negative_loss)

if __name__ == "__main__":
    import jax
    _d = setup_inputs()
    print(jax.jit(kernel)(*tuple(_d.values())))

</pallas_src>

<mosaic_0001>
#map = affine_map<(d0, d1) -> (0)>
#map1 = affine_map<(d0, d1) -> (0, 0, 0)>
module attributes {stable_mosaic.version = 14 : i64} {
  func.func @_gather(%arg0: i32, %arg1: i32, %arg2: memref<25165824xf32, #tpu.memory_space<hbm>>, %arg3: memref<256xi32, #tpu.memory_space<hbm>>, %arg4: memref<2x16x768xf32, #tpu.memory_space<hbm>>, %arg5: memref<16xi32, #tpu.memory_space<vmem>>, %arg6: memref<768xi32, #tpu.memory_space<vmem>>, %arg7: memref<768xf32, #tpu.memory_space<vmem>>, %arg8: memref<!tpu.dma_semaphore, #tpu.memory_space<semaphore_mem>>) attributes {dimension_semantics = [#tpu.dimension_semantics<core_parallel>, #tpu.dimension_semantics<subcore_parallel>], iteration_bounds = array<i64: 2, 16>, scalar_prefetch = 0 : i64, scratch_operands = 4 : i64, tpu.core_type = #tpu.core_type<sc_vector_subcore>, window_params = [{transform_indices = #map}, {transform_indices = #map}, {transform_indices = #map1}]} {
    %mul3A = arith.constant 16 : i32
    %mul3A_0 = arith.muli %arg1, %mul3A : i32
    "tpu.region"() ({
      %run_scoped3A = tpu.sem_alloc : memref<!tpu.dma_semaphore, #tpu.memory_space<semaphore_mem>>
      %dma_start3A_579 = tpu.memref_slice %arg3[%mul3A_0] : memref<256xi32, #tpu.memory_space<hbm>> -> memref<16xi32, #tpu.memory_space<hbm>>
      %dma_start3A_580 = tpu.memref_slice %arg3[%mul3A_0] : memref<256xi32, #tpu.memory_space<hbm>> -> memref<16xi32, #tpu.memory_space<hbm>>
      tpu.enqueue_dma source(%dma_start3A_580 : memref<16xi32, #tpu.memory_space<hbm>>) target(%arg5 : memref<16xi32, #tpu.memory_space<vmem>>) target_semaphore(%run_scoped3A : memref<!tpu.dma_semaphore, #tpu.memory_space<semaphore_mem>>)
      %dma_wait3A_581 = tpu.memref_slice %arg3[%mul3A_0] : memref<256xi32, #tpu.memory_space<hbm>> -> memref<16xi32, #tpu.memory_space<hbm>>
      %dma_wait3A_582 = tpu.memref_slice %arg3[%mul3A_0] : memref<256xi32, #tpu.memory_space<hbm>> -> memref<16xi32, #tpu.memory_space<hbm>>
      tpu.wait_dma2 semaphore(%run_scoped3A : memref<!tpu.dma_semaphore, #tpu.memory_space<semaphore_mem>>) src(%dma_wait3A_582 : memref<16xi32, #tpu.memory_space<hbm>>) dst(%arg5 : memref<16xi32, #tpu.memory_space<vmem>>)
      tpu.yield
    }) : () -> ()
    %get3A = arith.constant 0 : index
    %get3A_1 = tpu.vector_load %arg5[%get3A] {strides = array<i32>} : memref<16xi32, #tpu.memory_space<vmem>>, vector<16xi32>,
    %get3A_2 = vector.shape_cast %get3A_1 : vector<16xi32> to vector<16xi32>
    %mul3A_3 = arith.constant 48 : i32
    %mul3A_4 = arith.muli %arg0, %mul3A_3 : i32
    %add3A = arith.constant 0 : i32
    %add3A_5 = arith.addi %mul3A_4, %add3A : i32
    %mul3A_6 = arith.constant 262144 : i32
    %mul3A_7 = arith.muli %add3A_5, %mul3A_6 : i32
    %add3A_8 = vector.broadcast %mul3A_7 : i32 to vector<16xi32>
    %add3A_9 = arith.addi %add3A_8, %get3A_2 : vector<16xi32>
    %swap3A = arith.constant 0 : index
    %swap3A_10 = tpu.vector_load %arg6[%swap3A] {strides = array<i32>} : memref<768xi32, #tpu.memory_space<vmem>>, vector<16xi32>,
    %swap3A_11 = vector.shape_cast %swap3A_10 : vector<16xi32> to vector<16xi32>
    %swap3A_12 = vector.shape_cast %add3A_9 : vector<16xi32> to vector<16xi32>
    tpu.vector_store %arg6[%swap3A], %swap3A_12 {strides = array<i32>} : memref<768xi32, #tpu.memory_space<vmem>>, vector<16xi32>,
    %mul3A_13 = arith.constant 48 : i32
    %mul3A_14 = arith.muli %arg0, %mul3A_13 : i32
    %add3A_15 = arith.constant 1 : i32
    %add3A_16 = arith.addi %mul3A_14, %add3A_15 : i32
    %mul3A_17 = arith.constant 262144 : i32
    %mul3A_18 = arith.muli %add3A_16, %mul3A_17 : i32
    %add3A_19 = vector.broadcast %mul3A_18 : i32 to vector<16xi32>
    %add3A_20 = arith.addi %add3A_19, %get3A_2 : vector<16xi32>
    %swap3A_21 = arith.constant 16 : index
    %swap3A_22 = tpu.vector_load %arg6[%swap3A_21] {strides = array<i32>} : memref<768xi32, #tpu.memory_space<vmem>>, vector<16xi32>,
    %swap3A_23 = vector.shape_cast %swap3A_22 : vector<16xi32> to vector<16xi32>
    %swap3A_24 = vector.shape_cast %add3A_20 : vector<16xi32> to vector<16xi32>
    tpu.vector_store %arg6[%swap3A_21], %swap3A_24 {strides = array<i32>} : memref<768xi32, #tpu.memory_space<vmem>>, vector<16xi32>,
    %mul3A_25 = arith.constant 48 : i32
    %mul3A_26 = arith.muli %arg0, %mul3A_25 : i32
    %add3A_27 = arith.constant 2 : i32
    %add3A_28 = arith.addi %mul3A_26, %add3A_27 : i32
    %mul3A_29 = arith.constant 262144 : i32
    %mul3A_30 = arith.muli %add3A_28, %mul3A_29 : i32
    %add3A_31 = vector.broadcast %mul3A_30 : i32 to vector<16xi32>
    %add3A_32 = arith.addi %add3A_31, %get3A_2 : vector<16xi32>
    %swap3A_33 = arith.constant 32 : index
    %swap3A_34 = tpu.vector_load %arg6[%swap3A_33] {strides = array<i32>} : memref<768xi32, #tpu.memory_space<vmem>>, vector<16xi32>,
    %swap3A_35 = vector.shape_cast %swap3A_34 : vector<16xi32> to vector<16xi32>
    %swap3A_36 = vector.shape_cast %add3A_32 : vector<16xi32> to vector<16xi32>
    tpu.vector_store %arg6[%swap3A_33], %swap3A_36 {strides = array<i32>} : memref<768xi32, #tpu.memory_space<vmem>>, vector<16xi32>,
    %mul3A_37 = arith.constant 48 : i32
    %mul3A_38 = arith.muli %arg0, %mul3A_37 : i32
    %add3A_39 = arith.constant 3 : i32
    %add3A_40 = arith.addi %mul3A_38, %add3A_39 : i32
    %mul3A_41 = arith.constant 262144 : i32
    %mul3A_42 = arith.muli %add3A_40, %mul3A_41 : i32
    %add3A_43 = vector.broadcast %mul3A_42 : i32 to vector<16xi32>
    %add3A_44 = arith.addi %add3A_43, %get3A_2 : vector<16xi32>
    %swap3A_45 = arith.constant 48 : index
    %swap3A_46 = tpu.vector_load %arg6[%swap3A_45] {strides = array<i32>} : memref<768xi32, #tpu.memory_space<vmem>>, vector<16xi32>,
    %swap3A_47 = vector.shape_cast %swap3A_46 : vector<16xi32> to vector<16xi32>
    %swap3A_48 = vector.shape_cast %add3A_44 : vector<16xi32> to vector<16xi32>
    tpu.vector_store %arg6[%swap3A_45], %swap3A_48 {strides = array<i32>} : memref<768xi32, #tpu.memory_space<vmem>>, vector<16xi32>,
    %mul3A_49 = arith.constant 48 : i32
    %mul3A_50 = arith.muli %arg0, %mul3A_49 : i32
    %add3A_51 = arith.constant 4 : i32
    %add3A_52 = arith.addi %mul3A_50, %add3A_51 : i32
    %mul3A_53 = arith.constant 262144 : i32
    %mul3A_54 = arith.muli %add3A_52, %mul3A_53 : i32
    %add3A_55 = vector.broadcast %mul3A_54 : i32 to vector<16xi32>
    %add3A_56 = arith.addi %add3A_55, %get3A_2 : vector<16xi32>
    %swap3A_57 = arith.constant 64 : index
    %swap3A_58 = tpu.vector_load %arg6[%swap3A_57] {strides = array<i32>} : memref<768xi32, #tpu.memory_space<vmem>>, vector<16xi32>,
    %swap3A_59 = vector.shape_cast %swap3A_58 : vector<16xi32> to vector<16xi32>
    %swap3A_60 = vector.shape_cast %add3A_56 : vector<16xi32> to vector<16xi32>
    tpu.vector_store %arg6[%swap3A_57], %swap3A_60 {strides = array<i32>} : memref<768xi32, #tpu.memory_space<vmem>>, vector<16xi32>,
    %mul3A_61 = arith.constant 48 : i32
    %mul3A_62 = arith.muli %arg0, %mul3A_61 : i32
    %add3A_63 = arith.constant 5 : i32
    %add3A_64 = arith.addi %mul3A_62, %add3A_63 : i32
    %mul3A_65 = arith.constant 262144 : i32
    %mul3A_66 = arith.muli %add3A_64, %mul3A_65 : i32
    %add3A_67 = vector.broadcast %mul3A_66 : i32 to vector<16xi32>
    %add3A_68 = arith.addi %add3A_67, %get3A_2 : vector<16xi32>
    %swap3A_69 = arith.constant 80 : index
    %swap3A_70 = tpu.vector_load %arg6[%swap3A_69] {strides = array<i32>} : memref<768xi32, #tpu.memory_space<vmem>>, vector<16xi32>,
    %swap3A_71 = vector.shape_cast %swap3A_70 : vector<16xi32> to vector<16xi32>
    %swap3A_72 = vector.shape_cast %add3A_68 : vector<16xi32> to vector<16xi32>
    tpu.vector_store %arg6[%swap3A_69], %swap3A_72 {strides = array<i32>} : memref<768xi32, #tpu.memory_space<vmem>>, vector<16xi32>,
    %mul3A_73 = arith.constant 48 : i32
    %mul3A_74 = arith.muli %arg0, %mul3A_73 : i32
    %add3A_75 = arith.constant 6 : i32
    %add3A_76 = arith.addi %mul3A_74, %add3A_75 : i32
    %mul3A_77 = arith.constant 262144 : i32
    %mul3A_78 = arith.muli %add3A_76, %mul3A_77 : i32
    %add3A_79 = vector.broadcast %mul3A_78 : i32 to vector<16xi32>
    %add3A_80 = arith.addi %add3A_79, %get3A_2 : vector<16xi32>
    %swap3A_81 = arith.constant 96 : index
    %swap3A_82 = tpu.vector_load %arg6[%swap3A_81] {strides = array<i32>} : memref<768xi32, #tpu.memory_space<vmem>>, vector<16xi32>,
    %swap3A_83 = vector.shape_cast %swap3A_82 : vector<16xi32> to vector<16xi32>
    %swap3A_84 = vector.shape_cast %add3A_80 : vector<16xi32> to vector<16xi32>
    tpu.vector_store %arg6[%swap3A_81], %swap3A_84 {strides = array<i32>} : memref<768xi32, #tpu.memory_space<vmem>>, vector<16xi32>,
    %mul3A_85 = arith.constant 48 : i32
    %mul3A_86 = arith.muli %arg0, %mul3A_85 : i32
    %add3A_87 = arith.constant 7 : i32
    %add3A_88 = arith.addi %mul3A_86, %add3A_87 : i32
    %mul3A_89 = arith.constant 262144 : i32
    %mul3A_90 = arith.muli %add3A_88, %mul3A_89 : i32
    %add3A_91 = vector.broadcast %mul3A_90 : i32 to vector<16xi32>
    %add3A_92 = arith.addi %add3A_91, %get3A_2 : vector<16xi32>
    %swap3A_93 = arith.constant 112 : index
    %swap3A_94 = tpu.vector_load %arg6[%swap3A_93] {strides = array<i32>} : memref<768xi32, #tpu.memory_space<vmem>>, vector<16xi32>,
    %swap3A_95 = vector.shape_cast %swap3A_94 : vector<16xi32> to vector<16xi32>
    %swap3A_96 = vector.shape_cast %add3A_92 : vector<16xi32> to vector<16xi32>
    tpu.vector_store %arg6[%swap3A_93], %swap3A_96 {strides = array<i32>} : memref<768xi32, #tpu.memory_space<vmem>>, vector<16xi32>,
    %mul3A_97 = arith.constant 48 : i32
    %mul3A_98 = arith.muli %arg0, %mul3A_97 : i32
    %add3A_99 = arith.constant 8 : i32
    %add3A_100 = arith.addi %mul3A_98, %add3A_99 : i32
    %mul3A_101 = arith.constant 262144 : i32
    %mul3A_102 = arith.muli %add3A_100, %mul3A_101 : i32
    %add3A_103 = vector.broadcast %mul3A_102 : i32 to vector<16xi32>
    %add3A_104 = arith.addi %add3A_103, %get3A_2 : vector<16xi32>
    %swap3A_105 = arith.constant 128 : index
    %swap3A_106 = tpu.vector_load %arg6[%swap3A_105] {strides = array<i32>} : memref<768xi32, #tpu.memory_space<vmem>>, vector<16xi32>,
    %swap3A_107 = vector.shape_cast %swap3A_106 : vector<16xi32> to vector<16xi32>
    %swap3A_108 = vector.shape_cast %add3A_104 : vector<16xi32> to vector<16xi32>
    tpu.vector_store %arg6[%swap3A_105], %swap3A_108 {strides = array<i32>} : memref<768xi32, #tpu.memory_space<vmem>>, vector<16xi32>,
    %mul3A_109 = arith.constant 48 : i32
    %mul3A_110 = arith.muli %arg0, %mul3A_109 : i32
    %add3A_111 = arith.constant 9 : i32
    %add3A_112 = arith.addi %mul3A_110, %add3A_111 : i32
    %mul3A_113 = arith.constant 262144 : i32
    %mul3A_114 = arith.muli %add3A_112, %mul3A_113 : i32
    %add3A_115 = vector.broadcast %mul3A_114 : i32 to vector<16xi32>
    %add3A_116 = arith.addi %add3A_115, %get3A_2 : vector<16xi32>
    %swap3A_117 = arith.constant 144 : index
    %swap3A_118 = tpu.vector_load %arg6[%swap3A_117] {strides = array<i32>} : memref<768xi32, #tpu.memory_space<vmem>>, vector<16xi32>,
    %swap3A_119 = vector.shape_cast %swap3A_118 : vector<16xi32> to vector<16xi32>
    %swap3A_120 = vector.shape_cast %add3A_116 : vector<16xi32> to vector<16xi32>
    tpu.vector_store %arg6[%swap3A_117], %swap3A_120 {strides = array<i32>} : memref<768xi32, #tpu.memory_space<vmem>>, vector<16xi32>,
    %mul3A_121 = arith.constant 48 : i32
    %mul3A_122 = arith.muli %arg0, %mul3A_121 : i32
    %add3A_123 = arith.constant 10 : i32
    %add3A_124 = arith.addi %mul3A_122, %add3A_123 : i32
    %mul3A_125 = arith.constant 262144 : i32
    %mul3A_126 = arith.muli %add3A_124, %mul3A_125 : i32
    %add3A_127 = vector.broadcast %mul3A_126 : i32 to vector<16xi32>
    %add3A_128 = arith.addi %add3A_127, %get3A_2 : vector<16xi32>
    %swap3A_129 = arith.constant 160 : index
    %swap3A_130 = tpu.vector_load %arg6[%swap3A_129] {strides = array<i32>} : memref<768xi32, #tpu.memory_space<vmem>>, vector<16xi32>,
    %swap3A_131 = vector.shape_cast %swap3A_130 : vector<16xi32> to vector<16xi32>
    %swap3A_132 = vector.shape_cast %add3A_128 : vector<16xi32> to vector<16xi32>
    tpu.vector_store %arg6[%swap3A_129], %swap3A_132 {strides = array<i32>} : memref<768xi32, #tpu.memory_space<vmem>>, vector<16xi32>,
    %mul3A_133 = arith.constant 48 : i32
    %mul3A_134 = arith.muli %arg0, %mul3A_133 : i32
    %add3A_135 = arith.constant 11 : i32
    %add3A_136 = arith.addi %mul3A_134, %add3A_135 : i32
    %mul3A_137 = arith.constant 262144 : i32
    %mul3A_138 = arith.muli %add3A_136, %mul3A_137 : i32
    %add3A_139 = vector.broadcast %mul3A_138 : i32 to vector<16xi32>
    %add3A_140 = arith.addi %add3A_139, %get3A_2 : vector<16xi32>
    %swap3A_141 = arith.constant 176 : index
    %swap3A_142 = tpu.vector_load %arg6[%swap3A_141] {strides = array<i32>} : memref<768xi32, #tpu.memory_space<vmem>>, vector<16xi32>,
    %swap3A_143 = vector.shape_cast %swap3A_142 : vector<16xi32> to vector<16xi32>
    %swap3A_144 = vector.shape_cast %add3A_140 : vector<16xi32> to vector<16xi32>
    tpu.vector_store %arg6[%swap3A_141], %swap3A_144 {strides = array<i32>} : memref<768xi32, #tpu.memory_space<vmem>>, vector<16xi32>,
    %mul3A_145 = arith.constant 48 : i32
    %mul3A_146 = arith.muli %arg0, %mul3A_145 : i32
    %add3A_147 = arith.constant 12 : i32
    %add3A_148 = arith.addi %mul3A_146, %add3A_147 : i32
    %mul3A_149 = arith.constant 262144 : i32
    %mul3A_150 = arith.muli %add3A_148, %mul3A_149 : i32
    %add3A_151 = vector.broadcast %mul3A_150 : i32 to vector<16xi32>
    %add3A_152 = arith.addi %add3A_151, %get3A_2 : vector<16xi32>
    %swap3A_153 = arith.constant 192 : index
    %swap3A_154 = tpu.vector_load %arg6[%swap3A_153] {strides = array<i32>} : memref<768xi32, #tpu.memory_space<vmem>>, vector<16xi32>,
    %swap3A_155 = vector.shape_cast %swap3A_154 : vector<16xi32> to vector<16xi32>
    %swap3A_156 = vector.shape_cast %add3A_152 : vector<16xi32> to vector<16xi32>
    tpu.vector_store %arg6[%swap3A_153], %swap3A_156 {strides = array<i32>} : memref<768xi32, #tpu.memory_space<vmem>>, vector<16xi32>,
    %mul3A_157 = arith.constant 48 : i32
    %mul3A_158 = arith.muli %arg0, %mul3A_157 : i32
    %add3A_159 = arith.constant 13 : i32
    %add3A_160 = arith.addi %mul3A_158, %add3A_159 : i32
    %mul3A_161 = arith.constant 262144 : i32
    %mul3A_162 = arith.muli %add3A_160, %mul3A_161 : i32
    %add3A_163 = vector.broadcast %mul3A_162 : i32 to vector<16xi32>
    %add3A_164 = arith.addi %add3A_163, %get3A_2 : vector<16xi32>
    %swap3A_165 = arith.constant 208 : index
    %swap3A_166 = tpu.vector_load %arg6[%swap3A_165] {strides = array<i32>} : memref<768xi32, #tpu.memory_space<vmem>>, vector<16xi32>,
    %swap3A_167 = vector.shape_cast %swap3A_166 : vector<16xi32> to vector<16xi32>
    %swap3A_168 = vector.shape_cast %add3A_164 : vector<16xi32> to vector<16xi32>
    tpu.vector_store %arg6[%swap3A_165], %swap3A_168 {strides = array<i32>} : memref<768xi32, #tpu.memory_space<vmem>>, vector<16xi32>,
    %mul3A_169 = arith.constant 48 : i32
    %mul3A_170 = arith.muli %arg0, %mul3A_169 : i32
    %add3A_171 = arith.constant 14 : i32
    %add3A_172 = arith.addi %mul3A_170, %add3A_171 : i32
    %mul3A_173 = arith.constant 262144 : i32
    %mul3A_174 = arith.muli %add3A_172, %mul3A_173 : i32
    %add3A_175 = vector.broadcast %mul3A_174 : i32 to vector<16xi32>
    %add3A_176 = arith.addi %add3A_175, %get3A_2 : vector<16xi32>
    %swap3A_177 = arith.constant 224 : index
    %swap3A_178 = tpu.vector_load %arg6[%swap3A_177] {strides = array<i32>} : memref<768xi32, #tpu.memory_space<vmem>>, vector<16xi32>,
    %swap3A_179 = vector.shape_cast %swap3A_178 : vector<16xi32> to vector<16xi32>
    %swap3A_180 = vector.shape_cast %add3A_176 : vector<16xi32> to vector<16xi32>
    tpu.vector_store %arg6[%swap3A_177], %swap3A_180 {strides = array<i32>} : memref<768xi32, #tpu.memory_space<vmem>>, vector<16xi32>,
    %mul3A_181 = arith.constant 48 : i32
    %mul3A_182 = arith.muli %arg0, %mul3A_181 : i32
    %add3A_183 = arith.constant 15 : i32
    %add3A_184 = arith.addi %mul3A_182, %add3A_183 : i32
    %mul3A_185 = arith.constant 262144 : i32
    %mul3A_186 = arith.muli %add3A_184, %mul3A_185 : i32
    %add3A_187 = vector.broadcast %mul3A_186 : i32 to vector<16xi32>
    %add3A_188 = arith.addi %add3A_187, %get3A_2 : vector<16xi32>
    %swap3A_189 = arith.constant 240 : index
    %swap3A_190 = tpu.vector_load %arg6[%swap3A_189] {strides = array<i32>} : memref<768xi32, #tpu.memory_space<vmem>>, vector<16xi32>,
    %swap3A_191 = vector.shape_cast %swap3A_190 : vector<16xi32> to vector<16xi32>
    %swap3A_192 = vector.shape_cast %add3A_188 : vector<16xi32> to vector<16xi32>
    tpu.vector_store %arg6[%swap3A_189], %swap3A_192 {strides = array<i32>} : memref<768xi32, #tpu.memory_space<vmem>>, vector<16xi32>,
    %mul3A_193 = arith.constant 48 : i32
    %mul3A_194 = arith.muli %arg0, %mul3A_193 : i32
    %add3A_195 = arith.constant 16 : i32
    %add3A_196 = arith.addi %mul3A_194, %add3A_195 : i32
    %mul3A_197 = arith.constant 262144 : i32
    %mul3A_198 = arith.muli %add3A_196, %mul3A_197 : i32
    %add3A_199 = vector.broadcast %mul3A_198 : i32 to vector<16xi32>
    %add3A_200 = arith.addi %add3A_199, %get3A_2 : vector<16xi32>
    %swap3A_201 = arith.constant 256 : index
    %swap3A_202 = tpu.vector_load %arg6[%swap3A_201] {strides = array<i32>} : memref<768xi32, #tpu.memory_space<vmem>>, vector<16xi32>,
    %swap3A_203 = vector.shape_cast %swap3A_202 : vector<16xi32> to vector<16xi32>
    %swap3A_204 = vector.shape_cast %add3A_200 : vector<16xi32> to vector<16xi32>
    tpu.vector_store %arg6[%swap3A_201], %swap3A_204 {strides = array<i32>} : memref<768xi32, #tpu.memory_space<vmem>>, vector<16xi32>,
    %mul3A_205 = arith.constant 48 : i32
    %mul3A_206 = arith.muli %arg0, %mul3A_205 : i32
    %add3A_207 = arith.constant 17 : i32
    %add3A_208 = arith.addi %mul3A_206, %add3A_207 : i32
    %mul3A_209 = arith.constant 262144 : i32
    %mul3A_210 = arith.muli %add3A_208, %mul3A_209 : i32
    %add3A_211 = vector.broadcast %mul3A_210 : i32 to vector<16xi32>
    %add3A_212 = arith.addi %add3A_211, %get3A_2 : vector<16xi32>
    %swap3A_213 = arith.constant 272 : index
    %swap3A_214 = tpu.vector_load %arg6[%swap3A_213] {strides = array<i32>} : memref<768xi32, #tpu.memory_space<vmem>>, vector<16xi32>,
    %swap3A_215 = vector.shape_cast %swap3A_214 : vector<16xi32> to vector<16xi32>
    %swap3A_216 = vector.shape_cast %add3A_212 : vector<16xi32> to vector<16xi32>
    tpu.vector_store %arg6[%swap3A_213], %swap3A_216 {strides = array<i32>} : memref<768xi32, #tpu.memory_space<vmem>>, vector<16xi32>,
    %mul3A_217 = arith.constant 48 : i32
    %mul3A_218 = arith.muli %arg0, %mul3A_217 : i32
    %add3A_219 = arith.constant 18 : i32
    %add3A_220 = arith.addi %mul3A_218, %add3A_219 : i32
    %mul3A_221 = arith.constant 262144 : i32
    %mul3A_222 = arith.muli %add3A_220, %mul3A_221 : i32
    %add3A_223 = vector.broadcast %mul3A_222 : i32 to vector<16xi32>
    %add3A_224 = arith.addi %add3A_223, %get3A_2 : vector<16xi32>
    %swap3A_225 = arith.constant 288 : index
    %swap3A_226 = tpu.vector_load %arg6[%swap3A_225] {strides = array<i32>} : memref<768xi32, #tpu.memory_space<vmem>>, vector<16xi32>,
    %swap3A_227 = vector.shape_cast %swap3A_226 : vector<16xi32> to vector<16xi32>
    %swap3A_228 = vector.shape_cast %add3A_224 : vector<16xi32> to vector<16xi32>
    tpu.vector_store %arg6[%swap3A_225], %swap3A_228 {strides = array<i32>} : memref<768xi32, #tpu.memory_space<vmem>>, vector<16xi32>,
    %mul3A_229 = arith.constant 48 : i32
    %mul3A_230 = arith.muli %arg0, %mul3A_229 : i32
    %add3A_231 = arith.constant 19 : i32
    %add3A_232 = arith.addi %mul3A_230, %add3A_231 : i32
    %mul3A_233 = arith.constant 262144 : i32
    %mul3A_234 = arith.muli %add3A_232, %mul3A_233 : i32
    %add3A_235 = vector.broadcast %mul3A_234 : i32 to vector<16xi32>
    %add3A_236 = arith.addi %add3A_235, %get3A_2 : vector<16xi32>
    %swap3A_237 = arith.constant 304 : index
    %swap3A_238 = tpu.vector_load %arg6[%swap3A_237] {strides = array<i32>} : memref<768xi32, #tpu.memory_space<vmem>>, vector<16xi32>,
    %swap3A_239 = vector.shape_cast %swap3A_238 : vector<16xi32> to vector<16xi32>
    %swap3A_240 = vector.shape_cast %add3A_236 : vector<16xi32> to vector<16xi32>
    tpu.vector_store %arg6[%swap3A_237], %swap3A_240 {strides = array<i32>} : memref<768xi32, #tpu.memory_space<vmem>>, vector<16xi32>,
    %mul3A_241 = arith.constant 48 : i32
    %mul3A_242 = arith.muli %arg0, %mul3A_241 : i32
    %add3A_243 = arith.constant 20 : i32
    %add3A_244 = arith.addi %mul3A_242, %add3A_243 : i32
    %mul3A_245 = arith.constant 262144 : i32
    %mul3A_246 = arith.muli %add3A_244, %mul3A_245 : i32
    %add3A_247 = vector.broadcast %mul3A_246 : i32 to vector<16xi32>
    %add3A_248 = arith.addi %add3A_247, %get3A_2 : vector<16xi32>
    %swap3A_249 = arith.constant 320 : index
    %swap3A_250 = tpu.vector_load %arg6[%swap3A_249] {strides = array<i32>} : memref<768xi32, #tpu.memory_space<vmem>>, vector<16xi32>,
    %swap3A_251 = vector.shape_cast %swap3A_250 : vector<16xi32> to vector<16xi32>
    %swap3A_252 = vector.shape_cast %add3A_248 : vector<16xi32> to vector<16xi32>
    tpu.vector_store %arg6[%swap3A_249], %swap3A_252 {strides = array<i32>} : memref<768xi32, #tpu.memory_space<vmem>>, vector<16xi32>,
    %mul3A_253 = arith.constant 48 : i32
    %mul3A_254 = arith.muli %arg0, %mul3A_253 : i32
    %add3A_255 = arith.constant 21 : i32
    %add3A_256 = arith.addi %mul3A_254, %add3A_255 : i32
    %mul3A_257 = arith.constant 262144 : i32
    %mul3A_258 = arith.muli %add3A_256, %mul3A_257 : i32
    %add3A_259 = vector.broadcast %mul3A_258 : i32 to vector<16xi32>
    %add3A_260 = arith.addi %add3A_259, %get3A_2 : vector<16xi32>
    %swap3A_261 = arith.constant 336 : index
    %swap3A_262 = tpu.vector_load %arg6[%swap3A_261] {strides = array<i32>} : memref<768xi32, #tpu.memory_space<vmem>>, vector<16xi32>,
    %swap3A_263 = vector.shape_cast %swap3A_262 : vector<16xi32> to vector<16xi32>
    %swap3A_264 = vector.shape_cast %add3A_260 : vector<16xi32> to vector<16xi32>
    tpu.vector_store %arg6[%swap3A_261], %swap3A_264 {strides = array<i32>} : memref<768xi32, #tpu.memory_space<vmem>>, vector<16xi32>,
    %mul3A_265 = arith.constant 48 : i32
    %mul3A_266 = arith.muli %arg0, %mul3A_265 : i32
    %add3A_267 = arith.constant 22 : i32
    %add3A_268 = arith.addi %mul3A_266, %add3A_267 : i32
    %mul3A_269 = arith.constant 262144 : i32
    %mul3A_270 = arith.muli %add3A_268, %mul3A_269 : i32
    %add3A_271 = vector.broadcast %mul3A_270 : i32 to vector<16xi32>
    %add3A_272 = arith.addi %add3A_271, %get3A_2 : vector<16xi32>
    %swap3A_273 = arith.constant 352 : index
    %swap3A_274 = tpu.vector_load %arg6[%swap3A_273] {strides = array<i32>} : memref<768xi32, #tpu.memory_space<vmem>>, vector<16xi32>,
    %swap3A_275 = vector.shape_cast %swap3A_274 : vector<16xi32> to vector<16xi32>
    %swap3A_276 = vector.shape_cast %add3A_272 : vector<16xi32> to vector<16xi32>
    tpu.vector_store %arg6[%swap3A_273], %swap3A_276 {strides = array<i32>} : memref<768xi32, #tpu.memory_space<vmem>>, vector<16xi32>,
    %mul3A_277 = arith.constant 48 : i32
    %mul3A_278 = arith.muli %arg0, %mul3A_277 : i32
    %add3A_279 = arith.constant 23 : i32
    %add3A_280 = arith.addi %mul3A_278, %add3A_279 : i32
    %mul3A_281 = arith.constant 262144 : i32
    %mul3A_282 = arith.muli %add3A_280, %mul3A_281 : i32
    %add3A_283 = vector.broadcast %mul3A_282 : i32 to vector<16xi32>
    %add3A_284 = arith.addi %add3A_283, %get3A_2 : vector<16xi32>
    %swap3A_285 = arith.constant 368 : index
    %swap3A_286 = tpu.vector_load %arg6[%swap3A_285] {strides = array<i32>} : memref<768xi32, #tpu.memory_space<vmem>>, vector<16xi32>,
    %swap3A_287 = vector.shape_cast %swap3A_286 : vector<16xi32> to vector<16xi32>
    %swap3A_288 = vector.shape_cast %add3A_284 : vector<16xi32> to vector<16xi32>
    tpu.vector_store %arg6[%swap3A_285], %swap3A_288 {strides = array<i32>} : memref<768xi32, #tpu.memory_space<vmem>>, vector<16xi32>,
    %mul3A_289 = arith.constant 48 : i32
    %mul3A_290 = arith.muli %arg0, %mul3A_289 : i32
    %add3A_291 = arith.constant 24 : i32
    %add3A_292 = arith.addi %mul3A_290, %add3A_291 : i32
    %mul3A_293 = arith.constant 262144 : i32
    %mul3A_294 = arith.muli %add3A_292, %mul3A_293 : i32
    %add3A_295 = vector.broadcast %mul3A_294 : i32 to vector<16xi32>
    %add3A_296 = arith.addi %add3A_295, %get3A_2 : vector<16xi32>
    %swap3A_297 = arith.constant 384 : index
    %swap3A_298 = tpu.vector_load %arg6[%swap3A_297] {strides = array<i32>} : memref<768xi32, #tpu.memory_space<vmem>>, vector<16xi32>,
    %swap3A_299 = vector.shape_cast %swap3A_298 : vector<16xi32> to vector<16xi32>
    %swap3A_300 = vector.shape_cast %add3A_296 : vector<16xi32> to vector<16xi32>
    tpu.vector_store %arg6[%swap3A_297], %swap3A_300 {strides = array<i32>} : memref<768xi32, #tpu.memory_space<vmem>>, vector<16xi32>,
    %mul3A_301 = arith.constant 48 : i32
    %mul3A_302 = arith.muli %arg0, %mul3A_301 : i32
    %add3A_303 = arith.constant 25 : i32
    %add3A_304 = arith.addi %mul3A_302, %add3A_303 : i32
    %mul3A_305 = arith.constant 262144 : i32
    %mul3A_306 = arith.muli %add3A_304, %mul3A_305 : i32
    %add3A_307 = vector.broadcast %mul3A_306 : i32 to vector<16xi32>
    %add3A_308 = arith.addi %add3A_307, %get3A_2 : vector<16xi32>
    %swap3A_309 = arith.constant 400 : index
    %swap3A_310 = tpu.vector_load %arg6[%swap3A_309] {strides = array<i32>} : memref<768xi32, #tpu.memory_space<vmem>>, vector<16xi32>,
    %swap3A_311 = vector.shape_cast %swap3A_310 : vector<16xi32> to vector<16xi32>
    %swap3A_312 = vector.shape_cast %add3A_308 : vector<16xi32> to vector<16xi32>
    tpu.vector_store %arg6[%swap3A_309], %swap3A_312 {strides = array<i32>} : memref<768xi32, #tpu.memory_space<vmem>>, vector<16xi32>,
    %mul3A_313 = arith.constant 48 : i32
    %mul3A_314 = arith.muli %arg0, %mul3A_313 : i32
    %add3A_315 = arith.constant 26 : i32
    %add3A_316 = arith.addi %mul3A_314, %add3A_315 : i32
    %mul3A_317 = arith.constant 262144 : i32
    %mul3A_318 = arith.muli %add3A_316, %mul3A_317 : i32
    %add3A_319 = vector.broadcast %mul3A_318 : i32 to vector<16xi32>
    %add3A_320 = arith.addi %add3A_319, %get3A_2 : vector<16xi32>
    %swap3A_321 = arith.constant 416 : index
    %swap3A_322 = tpu.vector_load %arg6[%swap3A_321] {strides = array<i32>} : memref<768xi32, #tpu.memory_space<vmem>>, vector<16xi32>,
    %swap3A_323 = vector.shape_cast %swap3A_322 : vector<16xi32> to vector<16xi32>
    %swap3A_324 = vector.shape_cast %add3A_320 : vector<16xi32> to vector<16xi32>
    tpu.vector_store %arg6[%swap3A_321], %swap3A_324 {strides = array<i32>} : memref<768xi32, #tpu.memory_space<vmem>>, vector<16xi32>,
    %mul3A_325 = arith.constant 48 : i32
    %mul3A_326 = arith.muli %arg0, %mul3A_325 : i32
    %add3A_327 = arith.constant 27 : i32
    %add3A_328 = arith.addi %mul3A_326, %add3A_327 : i32
    %mul3A_329 = arith.constant 262144 : i32
    %mul3A_330 = arith.muli %add3A_328, %mul3A_329 : i32
    %add3A_331 = vector.broadcast %mul3A_330 : i32 to vector<16xi32>
    %add3A_332 = arith.addi %add3A_331, %get3A_2 : vector<16xi32>
    %swap3A_333 = arith.constant 432 : index
    %swap3A_334 = tpu.vector_load %arg6[%swap3A_333] {strides = array<i32>} : memref<768xi32, #tpu.memory_space<vmem>>, vector<16xi32>,
    %swap3A_335 = vector.shape_cast %swap3A_334 : vector<16xi32> to vector<16xi32>
    %swap3A_336 = vector.shape_cast %add3A_332 : vector<16xi32> to vector<16xi32>
    tpu.vector_store %arg6[%swap3A_333], %swap3A_336 {strides = array<i32>} : memref<768xi32, #tpu.memory_space<vmem>>, vector<16xi32>,
    %mul3A_337 = arith.constant 48 : i32
    %mul3A_338 = arith.muli %arg0, %mul3A_337 : i32
    %add3A_339 = arith.constant 28 : i32
    %add3A_340 = arith.addi %mul3A_338, %add3A_339 : i32
    %mul3A_341 = arith.constant 262144 : i32
    %mul3A_342 = arith.muli %add3A_340, %mul3A_341 : i32
    %add3A_343 = vector.broadcast %mul3A_342 : i32 to vector<16xi32>
    %add3A_344 = arith.addi %add3A_343, %get3A_2 : vector<16xi32>
    %swap3A_345 = arith.constant 448 : index
    %swap3A_346 = tpu.vector_load %arg6[%swap3A_345] {strides = array<i32>} : memref<768xi32, #tpu.memory_space<vmem>>, vector<16xi32>,
    %swap3A_347 = vector.shape_cast %swap3A_346 : vector<16xi32> to vector<16xi32>
    %swap3A_348 = vector.shape_cast %add3A_344 : vector<16xi32> to vector<16xi32>
    tpu.vector_store %arg6[%swap3A_345], %swap3A_348 {strides = array<i32>} : memref<768xi32, #tpu.memory_space<vmem>>, vector<16xi32>,
    %mul3A_349 = arith.constant 48 : i32
    %mul3A_350 = arith.muli %arg0, %mul3A_349 : i32
    %add3A_351 = arith.constant 29 : i32
    %add3A_352 = arith.addi %mul3A_350, %add3A_351 : i32
    %mul3A_353 = arith.constant 262144 : i32
    %mul3A_354 = arith.muli %add3A_352, %mul3A_353 : i32
    %add3A_355 = vector.broadcast %mul3A_354 : i32 to vector<16xi32>
    %add3A_356 = arith.addi %add3A_355, %get3A_2 : vector<16xi32>
    %swap3A_357 = arith.constant 464 : index
    %swap3A_358 = tpu.vector_load %arg6[%swap3A_357] {strides = array<i32>} : memref<768xi32, #tpu.memory_space<vmem>>, vector<16xi32>,
    %swap3A_359 = vector.shape_cast %swap3A_358 : vector<16xi32> to vector<16xi32>
    %swap3A_360 = vector.shape_cast %add3A_356 : vector<16xi32> to vector<16xi32>
    tpu.vector_store %arg6[%swap3A_357], %swap3A_360 {strides = array<i32>} : memref<768xi32, #tpu.memory_space<vmem>>, vector<16xi32>,
    %mul3A_361 = arith.constant 48 : i32
    %mul3A_362 = arith.muli %arg0, %mul3A_361 : i32
    %add3A_363 = arith.constant 30 : i32
    %add3A_364 = arith.addi %mul3A_362, %add3A_363 : i32
    %mul3A_365 = arith.constant 262144 : i32
    %mul3A_366 = arith.muli %add3A_364, %mul3A_365 : i32
    %add3A_367 = vector.broadcast %mul3A_366 : i32 to vector<16xi32>
    %add3A_368 = arith.addi %add3A_367, %get3A_2 : vector<16xi32>
    %swap3A_369 = arith.constant 480 : index
    %swap3A_370 = tpu.vector_load %arg6[%swap3A_369] {strides = array<i32>} : memref<768xi32, #tpu.memory_space<vmem>>, vector<16xi32>,
    %swap3A_371 = vector.shape_cast %swap3A_370 : vector<16xi32> to vector<16xi32>
    %swap3A_372 = vector.shape_cast %add3A_368 : vector<16xi32> to vector<16xi32>
    tpu.vector_store %arg6[%swap3A_369], %swap3A_372 {strides = array<i32>} : memref<768xi32, #tpu.memory_space<vmem>>, vector<16xi32>,
    %mul3A_373 = arith.constant 48 : i32
    %mul3A_374 = arith.muli %arg0, %mul3A_373 : i32
    %add3A_375 = arith.constant 31 : i32
    %add3A_376 = arith.addi %mul3A_374, %add3A_375 : i32
    %mul3A_377 = arith.constant 262144 : i32
    %mul3A_378 = arith.muli %add3A_376, %mul3A_377 : i32
    %add3A_379 = vector.broadcast %mul3A_378 : i32 to vector<16xi32>
    %add3A_380 = arith.addi %add3A_379, %get3A_2 : vector<16xi32>
    %swap3A_381 = arith.constant 496 : index
    %swap3A_382 = tpu.vector_load %arg6[%swap3A_381] {strides = array<i32>} : memref<768xi32, #tpu.memory_space<vmem>>, vector<16xi32>,
    %swap3A_383 = vector.shape_cast %swap3A_382 : vector<16xi32> to vector<16xi32>
    %swap3A_384 = vector.shape_cast %add3A_380 : vector<16xi32> to vector<16xi32>
    tpu.vector_store %arg6[%swap3A_381], %swap3A_384 {strides = array<i32>} : memref<768xi32, #tpu.memory_space<vmem>>, vector<16xi32>,
    %mul3A_385 = arith.constant 48 : i32
    %mul3A_386 = arith.muli %arg0, %mul3A_385 : i32
    %add3A_387 = arith.constant 32 : i32
    %add3A_388 = arith.addi %mul3A_386, %add3A_387 : i32
    %mul3A_389 = arith.constant 262144 : i32
    %mul3A_390 = arith.muli %add3A_388, %mul3A_389 : i32
    %add3A_391 = vector.broadcast %mul3A_390 : i32 to vector<16xi32>
    %add3A_392 = arith.addi %add3A_391, %get3A_2 : vector<16xi32>
    %swap3A_393 = arith.constant 512 : index
    %swap3A_394 = tpu.vector_load %arg6[%swap3A_393] {strides = array<i32>} : memref<768xi32, #tpu.memory_space<vmem>>, vector<16xi32>,
    %swap3A_395 = vector.shape_cast %swap3A_394 : vector<16xi32> to vector<16xi32>
    %swap3A_396 = vector.shape_cast %add3A_392 : vector<16xi32> to vector<16xi32>
    tpu.vector_store %arg6[%swap3A_393], %swap3A_396 {strides = array<i32>} : memref<768xi32, #tpu.memory_space<vmem>>, vector<16xi32>,
    %mul3A_397 = arith.constant 48 : i32
    %mul3A_398 = arith.muli %arg0, %mul3A_397 : i32
    %add3A_399 = arith.constant 33 : i32
    %add3A_400 = arith.addi %mul3A_398, %add3A_399 : i32
    %mul3A_401 = arith.constant 262144 : i32
    %mul3A_402 = arith.muli %add3A_400, %mul3A_401 : i32
    %add3A_403 = vector.broadcast %mul3A_402 : i32 to vector<16xi32>
    %add3A_404 = arith.addi %add3A_403, %get3A_2 : vector<16xi32>
    %swap3A_405 = arith.constant 528 : index
    %swap3A_406 = tpu.vector_load %arg6[%swap3A_405] {strides = array<i32>} : memref<768xi32, #tpu.memory_space<vmem>>, vector<16xi32>,
    %swap3A_407 = vector.shape_cast %swap3A_406 : vector<16xi32> to vector<16xi32>
    %swap3A_408 = vector.shape_cast %add3A_404 : vector<16xi32> to vector<16xi32>
    tpu.vector_store %arg6[%swap3A_405], %swap3A_408 {strides = array<i32>} : memref<768xi32, #tpu.memory_space<vmem>>, vector<16xi32>,
    %mul3A_409 = arith.constant 48 : i32
    %mul3A_410 = arith.muli %arg0, %mul3A_409 : i32
    %add3A_411 = arith.constant 34 : i32
    %add3A_412 = arith.addi %mul3A_410, %add3A_411 : i32
    %mul3A_413 = arith.constant 262144 : i32
    %mul3A_414 = arith.muli %add3A_412, %mul3A_413 : i32
    %add3A_415 = vector.broadcast %mul3A_414 : i32 to vector<16xi32>
    %add3A_416 = arith.addi %add3A_415, %get3A_2 : vector<16xi32>
    %swap3A_417 = arith.constant 544 : index
    %swap3A_418 = tpu.vector_load %arg6[%swap3A_417] {strides = array<i32>} : memref<768xi32, #tpu.memory_space<vmem>>, vector<16xi32>,
    %swap3A_419 = vector.shape_cast %swap3A_418 : vector<16xi32> to vector<16xi32>
    %swap3A_420 = vector.shape_cast %add3A_416 : vector<16xi32> to vector<16xi32>
    tpu.vector_store %arg6[%swap3A_417], %swap3A_420 {strides = array<i32>} : memref<768xi32, #tpu.memory_space<vmem>>, vector<16xi32>,
    %mul3A_421 = arith.constant 48 : i32
    %mul3A_422 = arith.muli %arg0, %mul3A_421 : i32
    %add3A_423 = arith.constant 35 : i32
    %add3A_424 = arith.addi %mul3A_422, %add3A_423 : i32
    %mul3A_425 = arith.constant 262144 : i32
    %mul3A_426 = arith.muli %add3A_424, %mul3A_425 : i32
    %add3A_427 = vector.broadcast %mul3A_426 : i32 to vector<16xi32>
    %add3A_428 = arith.addi %add3A_427, %get3A_2 : vector<16xi32>
    %swap3A_429 = arith.constant 560 : index
    %swap3A_430 = tpu.vector_load %arg6[%swap3A_429] {strides = array<i32>} : memref<768xi32, #tpu.memory_space<vmem>>, vector<16xi32>,
    %swap3A_431 = vector.shape_cast %swap3A_430 : vector<16xi32> to vector<16xi32>
    %swap3A_432 = vector.shape_cast %add3A_428 : vector<16xi32> to vector<16xi32>
    tpu.vector_store %arg6[%swap3A_429], %swap3A_432 {strides = array<i32>} : memref<768xi32, #tpu.memory_space<vmem>>, vector<16xi32>,
    %mul3A_433 = arith.constant 48 : i32
    %mul3A_434 = arith.muli %arg0, %mul3A_433 : i32
    %add3A_435 = arith.constant 36 : i32
    %add3A_436 = arith.addi %mul3A_434, %add3A_435 : i32
    %mul3A_437 = arith.constant 262144 : i32
    %mul3A_438 = arith.muli %add3A_436, %mul3A_437 : i32
    %add3A_439 = vector.broadcast %mul3A_438 : i32 to vector<16xi32>
    %add3A_440 = arith.addi %add3A_439, %get3A_2 : vector<16xi32>
    %swap3A_441 = arith.constant 576 : index
    %swap3A_442 = tpu.vector_load %arg6[%swap3A_441] {strides = array<i32>} : memref<768xi32, #tpu.memory_space<vmem>>, vector<16xi32>,
    %swap3A_443 = vector.shape_cast %swap3A_442 : vector<16xi32> to vector<16xi32>
    %swap3A_444 = vector.shape_cast %add3A_440 : vector<16xi32> to vector<16xi32>
    tpu.vector_store %arg6[%swap3A_441], %swap3A_444 {strides = array<i32>} : memref<768xi32, #tpu.memory_space<vmem>>, vector<16xi32>,
    %mul3A_445 = arith.constant 48 : i32
    %mul3A_446 = arith.muli %arg0, %mul3A_445 : i32
    %add3A_447 = arith.constant 37 : i32
    %add3A_448 = arith.addi %mul3A_446, %add3A_447 : i32
    %mul3A_449 = arith.constant 262144 : i32
    %mul3A_450 = arith.muli %add3A_448, %mul3A_449 : i32
    %add3A_451 = vector.broadcast %mul3A_450 : i32 to vector<16xi32>
    %add3A_452 = arith.addi %add3A_451, %get3A_2 : vector<16xi32>
    %swap3A_453 = arith.constant 592 : index
    %swap3A_454 = tpu.vector_load %arg6[%swap3A_453] {strides = array<i32>} : memref<768xi32, #tpu.memory_space<vmem>>, vector<16xi32>,
    %swap3A_455 = vector.shape_cast %swap3A_454 : vector<16xi32> to vector<16xi32>
    %swap3A_456 = vector.shape_cast %add3A_452 : vector<16xi32> to vector<16xi32>
    tpu.vector_store %arg6[%swap3A_453], %swap3A_456 {strides = array<i32>} : memref<768xi32, #tpu.memory_space<vmem>>, vector<16xi32>,
    %mul3A_457 = arith.constant 48 : i32
    %mul3A_458 = arith.muli %arg0, %mul3A_457 : i32
    %add3A_459 = arith.constant 38 : i32
    %add3A_460 = arith.addi %mul3A_458, %add3A_459 : i32
    %mul3A_461 = arith.constant 262144 : i32
    %mul3A_462 = arith.muli %add3A_460, %mul3A_461 : i32
    %add3A_463 = vector.broadcast %mul3A_462 : i32 to vector<16xi32>
    %add3A_464 = arith.addi %add3A_463, %get3A_2 : vector<16xi32>
    %swap3A_465 = arith.constant 608 : index
    %swap3A_466 = tpu.vector_load %arg6[%swap3A_465] {strides = array<i32>} : memref<768xi32, #tpu.memory_space<vmem>>, vector<16xi32>,
    %swap3A_467 = vector.shape_cast %swap3A_466 : vector<16xi32> to vector<16xi32>
    %swap3A_468 = vector.shape_cast %add3A_464 : vector<16xi32> to vector<16xi32>
    tpu.vector_store %arg6[%swap3A_465], %swap3A_468 {strides = array<i32>} : memref<768xi32, #tpu.memory_space<vmem>>, vector<16xi32>,
    %mul3A_469 = arith.constant 48 : i32
    %mul3A_470 = arith.muli %arg0, %mul3A_469 : i32
    %add3A_471 = arith.constant 39 : i32
    %add3A_472 = arith.addi %mul3A_470, %add3A_471 : i32
    %mul3A_473 = arith.constant 262144 : i32
    %mul3A_474 = arith.muli %add3A_472, %mul3A_473 : i32
    %add3A_475 = vector.broadcast %mul3A_474 : i32 to vector<16xi32>
    %add3A_476 = arith.addi %add3A_475, %get3A_2 : vector<16xi32>
    %swap3A_477 = arith.constant 624 : index
    %swap3A_478 = tpu.vector_load %arg6[%swap3A_477] {strides = array<i32>} : memref<768xi32, #tpu.memory_space<vmem>>, vector<16xi32>,
    %swap3A_479 = vector.shape_cast %swap3A_478 : vector<16xi32> to vector<16xi32>
    %swap3A_480 = vector.shape_cast %add3A_476 : vector<16xi32> to vector<16xi32>
    tpu.vector_store %arg6[%swap3A_477], %swap3A_480 {strides = array<i32>} : memref<768xi32, #tpu.memory_space<vmem>>, vector<16xi32>,
    %mul3A_481 = arith.constant 48 : i32
    %mul3A_482 = arith.muli %arg0, %mul3A_481 : i32
    %add3A_483 = arith.constant 40 : i32
    %add3A_484 = arith.addi %mul3A_482, %add3A_483 : i32
    %mul3A_485 = arith.constant 262144 : i32
    %mul3A_486 = arith.muli %add3A_484, %mul3A_485 : i32
    %add3A_487 = vector.broadcast %mul3A_486 : i32 to vector<16xi32>
    %add3A_488 = arith.addi %add3A_487, %get3A_2 : vector<16xi32>
    %swap3A_489 = arith.constant 640 : index
    %swap3A_490 = tpu.vector_load %arg6[%swap3A_489] {strides = array<i32>} : memref<768xi32, #tpu.memory_space<vmem>>, vector<16xi32>,
    %swap3A_491 = vector.shape_cast %swap3A_490 : vector<16xi32> to vector<16xi32>
    %swap3A_492 = vector.shape_cast %add3A_488 : vector<16xi32> to vector<16xi32>
    tpu.vector_store %arg6[%swap3A_489], %swap3A_492 {strides = array<i32>} : memref<768xi32, #tpu.memory_space<vmem>>, vector<16xi32>,
    %mul3A_493 = arith.constant 48 : i32
    %mul3A_494 = arith.muli %arg0, %mul3A_493 : i32
    %add3A_495 = arith.constant 41 : i32
    %add3A_496 = arith.addi %mul3A_494, %add3A_495 : i32
    %mul3A_497 = arith.constant 262144 : i32
    %mul3A_498 = arith.muli %add3A_496, %mul3A_497 : i32
    %add3A_499 = vector.broadcast %mul3A_498 : i32 to vector<16xi32>
    %add3A_500 = arith.addi %add3A_499, %get3A_2 : vector<16xi32>
    %swap3A_501 = arith.constant 656 : index
    %swap3A_502 = tpu.vector_load %arg6[%swap3A_501] {strides = array<i32>} : memref<768xi32, #tpu.memory_space<vmem>>, vector<16xi32>,
    %swap3A_503 = vector.shape_cast %swap3A_502 : vector<16xi32> to vector<16xi32>
    %swap3A_504 = vector.shape_cast %add3A_500 : vector<16xi32> to vector<16xi32>
    tpu.vector_store %arg6[%swap3A_501], %swap3A_504 {strides = array<i32>} : memref<768xi32, #tpu.memory_space<vmem>>, vector<16xi32>,
    %mul3A_505 = arith.constant 48 : i32
    %mul3A_506 = arith.muli %arg0, %mul3A_505 : i32
    %add3A_507 = arith.constant 42 : i32
    %add3A_508 = arith.addi %mul3A_506, %add3A_507 : i32
    %mul3A_509 = arith.constant 262144 : i32
    %mul3A_510 = arith.muli %add3A_508, %mul3A_509 : i32
    %add3A_511 = vector.broadcast %mul3A_510 : i32 to vector<16xi32>
    %add3A_512 = arith.addi %add3A_511, %get3A_2 : vector<16xi32>
    %swap3A_513 = arith.constant 672 : index
    %swap3A_514 = tpu.vector_load %arg6[%swap3A_513] {strides = array<i32>} : memref<768xi32, #tpu.memory_space<vmem>>, vector<16xi32>,
    %swap3A_515 = vector.shape_cast %swap3A_514 : vector<16xi32> to vector<16xi32>
    %swap3A_516 = vector.shape_cast %add3A_512 : vector<16xi32> to vector<16xi32>
    tpu.vector_store %arg6[%swap3A_513], %swap3A_516 {strides = array<i32>} : memref<768xi32, #tpu.memory_space<vmem>>, vector<16xi32>,
    %mul3A_517 = arith.constant 48 : i32
    %mul3A_518 = arith.muli %arg0, %mul3A_517 : i32
    %add3A_519 = arith.constant 43 : i32
    %add3A_520 = arith.addi %mul3A_518, %add3A_519 : i32
    %mul3A_521 = arith.constant 262144 : i32
    %mul3A_522 = arith.muli %add3A_520, %mul3A_521 : i32
    %add3A_523 = vector.broadcast %mul3A_522 : i32 to vector<16xi32>
    %add3A_524 = arith.addi %add3A_523, %get3A_2 : vector<16xi32>
    %swap3A_525 = arith.constant 688 : index
    %swap3A_526 = tpu.vector_load %arg6[%swap3A_525] {strides = array<i32>} : memref<768xi32, #tpu.memory_space<vmem>>, vector<16xi32>,
    %swap3A_527 = vector.shape_cast %swap3A_526 : vector<16xi32> to vector<16xi32>
    %swap3A_528 = vector.shape_cast %add3A_524 : vector<16xi32> to vector<16xi32>
    tpu.vector_store %arg6[%swap3A_525], %swap3A_528 {strides = array<i32>} : memref<768xi32, #tpu.memory_space<vmem>>, vector<16xi32>,
    %mul3A_529 = arith.constant 48 : i32
    %mul3A_530 = arith.muli %arg0, %mul3A_529 : i32
    %add3A_531 = arith.constant 44 : i32
    %add3A_532 = arith.addi %mul3A_530, %add3A_531 : i32
    %mul3A_533 = arith.constant 262144 : i32
    %mul3A_534 = arith.muli %add3A_532, %mul3A_533 : i32
    %add3A_535 = vector.broadcast %mul3A_534 : i32 to vector<16xi32>
    %add3A_536 = arith.addi %add3A_535, %get3A_2 : vector<16xi32>
    %swap3A_537 = arith.constant 704 : index
    %swap3A_538 = tpu.vector_load %arg6[%swap3A_537] {strides = array<i32>} : memref<768xi32, #tpu.memory_space<vmem>>, vector<16xi32>,
    %swap3A_539 = vector.shape_cast %swap3A_538 : vector<16xi32> to vector<16xi32>
    %swap3A_540 = vector.shape_cast %add3A_536 : vector<16xi32> to vector<16xi32>
    tpu.vector_store %arg6[%swap3A_537], %swap3A_540 {strides = array<i32>} : memref<768xi32, #tpu.memory_space<vmem>>, vector<16xi32>,
    %mul3A_541 = arith.constant 48 : i32
    %mul3A_542 = arith.muli %arg0, %mul3A_541 : i32
    %add3A_543 = arith.constant 45 : i32
    %add3A_544 = arith.addi %mul3A_542, %add3A_543 : i32
    %mul3A_545 = arith.constant 262144 : i32
    %mul3A_546 = arith.muli %add3A_544, %mul3A_545 : i32
    %add3A_547 = vector.broadcast %mul3A_546 : i32 to vector<16xi32>
    %add3A_548 = arith.addi %add3A_547, %get3A_2 : vector<16xi32>
    %swap3A_549 = arith.constant 720 : index
    %swap3A_550 = tpu.vector_load %arg6[%swap3A_549] {strides = array<i32>} : memref<768xi32, #tpu.memory_space<vmem>>, vector<16xi32>,
    %swap3A_551 = vector.shape_cast %swap3A_550 : vector<16xi32> to vector<16xi32>
    %swap3A_552 = vector.shape_cast %add3A_548 : vector<16xi32> to vector<16xi32>
    tpu.vector_store %arg6[%swap3A_549], %swap3A_552 {strides = array<i32>} : memref<768xi32, #tpu.memory_space<vmem>>, vector<16xi32>,
    %mul3A_553 = arith.constant 48 : i32
    %mul3A_554 = arith.muli %arg0, %mul3A_553 : i32
    %add3A_555 = arith.constant 46 : i32
    %add3A_556 = arith.addi %mul3A_554, %add3A_555 : i32
    %mul3A_557 = arith.constant 262144 : i32
    %mul3A_558 = arith.muli %add3A_556, %mul3A_557 : i32
    %add3A_559 = vector.broadcast %mul3A_558 : i32 to vector<16xi32>
    %add3A_560 = arith.addi %add3A_559, %get3A_2 : vector<16xi32>
    %swap3A_561 = arith.constant 736 : index
    %swap3A_562 = tpu.vector_load %arg6[%swap3A_561] {strides = array<i32>} : memref<768xi32, #tpu.memory_space<vmem>>, vector<16xi32>,
    %swap3A_563 = vector.shape_cast %swap3A_562 : vector<16xi32> to vector<16xi32>
    %swap3A_564 = vector.shape_cast %add3A_560 : vector<16xi32> to vector<16xi32>
    tpu.vector_store %arg6[%swap3A_561], %swap3A_564 {strides = array<i32>} : memref<768xi32, #tpu.memory_space<vmem>>, vector<16xi32>,
    %mul3A_565 = arith.constant 48 : i32
    %mul3A_566 = arith.muli %arg0, %mul3A_565 : i32
    %add3A_567 = arith.constant 47 : i32
    %add3A_568 = arith.addi %mul3A_566, %add3A_567 : i32
    %mul3A_569 = arith.constant 262144 : i32
    %mul3A_570 = arith.muli %add3A_568, %mul3A_569 : i32
    %add3A_571 = vector.broadcast %mul3A_570 : i32 to vector<16xi32>
    %add3A_572 = arith.addi %add3A_571, %get3A_2 : vector<16xi32>
    %swap3A_573 = arith.constant 752 : index
    %swap3A_574 = tpu.vector_load %arg6[%swap3A_573] {strides = array<i32>} : memref<768xi32, #tpu.memory_space<vmem>>, vector<16xi32>,
    %swap3A_575 = vector.shape_cast %swap3A_574 : vector<16xi32> to vector<16xi32>
    %swap3A_576 = vector.shape_cast %add3A_572 : vector<16xi32> to vector<16xi32>
    tpu.vector_store %arg6[%swap3A_573], %swap3A_576 {strides = array<i32>} : memref<768xi32, #tpu.memory_space<vmem>>, vector<16xi32>,
    %dma_start3A = arith.constant 0 : i32
    %dma_start3A_577 = tpu.memref_slice %arg2[%dma_start3A] : memref<25165824xf32, #tpu.memory_space<hbm>> -> memref<25165824xf32, #tpu.memory_space<hbm>>
    tpu.enqueue_indirect_dma source(%dma_start3A_577 : memref<25165824xf32, #tpu.memory_space<hbm>>) target(%arg7 : memref<768xf32, #tpu.memory_space<vmem>>) offsets(%arg6 : memref<768xi32, #tpu.memory_space<vmem>>) semaphore(%arg8 : memref<!tpu.dma_semaphore, #tpu.memory_space<semaphore_mem>>)
    %dma_wait3A = arith.constant 0 : i32
    %dma_wait3A_578 = tpu.memref_slice %arg2[%dma_wait3A] : memref<25165824xf32, #tpu.memory_space<hbm>> -> memref<25165824xf32, #tpu.memory_space<hbm>>
    tpu.wait_indirect_dma semaphore(%arg8 : memref<!tpu.dma_semaphore, #tpu.memory_space<semaphore_mem>>) src(%dma_wait3A_578 : memref<25165824xf32, #tpu.memory_space<hbm>>) dst(%arg7 : memref<768xf32, #tpu.memory_space<vmem>>)
    "tpu.region"() ({
      %run_scoped3A = tpu.sem_alloc : memref<!tpu.dma_semaphore, #tpu.memory_space<semaphore_mem>>
      %dma_start3A_579 = arith.constant 0 : i32
      %dma_start3A_580 = tpu.memref_slice %arg4[%arg0, %arg1, %dma_start3A_579] : memref<2x16x768xf32, #tpu.memory_space<hbm>> -> memref<1x1x768xf32, #tpu.memory_space<hbm>>
      %dma_start3A_581 = tpu.memref_squeeze %dma_start3A_580 : memref<1x1x768xf32, #tpu.memory_space<hbm>> -> memref<768xf32, #tpu.memory_space<hbm>>
      %dma_start3A_582 = arith.constant 0 : i32
      %dma_start3A_583 = tpu.memref_slice %arg4[%arg0, %arg1, %dma_start3A_582] : memref<2x16x768xf32, #tpu.memory_space<hbm>> -> memref<1x1x768xf32, #tpu.memory_space<hbm>>
      %dma_start3A_584 = tpu.memref_squeeze %dma_start3A_583 : memref<1x1x768xf32, #tpu.memory_space<hbm>> -> memref<768xf32, #tpu.memory_space<hbm>>
      tpu.enqueue_dma source(%arg7 : memref<768xf32, #tpu.memory_space<vmem>>) target(%dma_start3A_584 : memref<768xf32, #tpu.memory_space<hbm>>) target_semaphore(%run_scoped3A : memref<!tpu.dma_semaphore, #tpu.memory_space<semaphore_mem>>)
      %dma_wait3A_585 = arith.constant 0 : i32
      %dma_wait3A_586 = tpu.memref_slice %arg4[%arg0, %arg1, %dma_wait3A_585] : memref<2x16x768xf32, #tpu.memory_space<hbm>> -> memref<1x1x768xf32, #tpu.memory_space<hbm>>
      %dma_wait3A_587 = tpu.memref_squeeze %dma_wait3A_586 : memref<1x1x768xf32, #tpu.memory_space<hbm>> -> memref<768xf32, #tpu.memory_space<hbm>>
      %dma_wait3A_588 = arith.constant 0 : i32
      %dma_wait3A_589 = tpu.memref_slice %arg4[%arg0, %arg1, %dma_wait3A_588] : memref<2x16x768xf32, #tpu.memory_space<hbm>> -> memref<1x1x768xf32, #tpu.memory_space<hbm>>
      %dma_wait3A_590 = tpu.memref_squeeze %dma_wait3A_589 : memref<1x1x768xf32, #tpu.memory_space<hbm>> -> memref<768xf32, #tpu.memory_space<hbm>>
      tpu.wait_dma2 semaphore(%run_scoped3A : memref<!tpu.dma_semaphore, #tpu.memory_space<semaphore_mem>>) src(%arg7 : memref<768xf32, #tpu.memory_space<vmem>>) dst(%dma_wait3A_590 : memref<768xf32, #tpu.memory_space<hbm>>)
      tpu.yield
    }) : () -> ()
    return
  }
}

module attributes {stable_mosaic.version = 14 : i64} {
  func.func @_dist_topk_body(%arg0: i32, %arg1: memref<256x1xi32, #tpu.memory_space<vmem>>, %arg2: memref<256x96xf32, #tpu.memory_space<vmem>>, %arg3: memref<96x8x512xf32, #tpu.memory_space<vmem>>, %arg4: memref<1x1xf32, #tpu.memory_space<vmem>>, %arg5: memref<256x8xf32, #tpu.memory_space<vmem>>, %arg6: memref<256x4096xf32, #tpu.memory_space<vmem>>) attributes {dimension_semantics = [#tpu.dimension_semantics<arbitrary>], iteration_bounds = array<i64: 64>, scalar_prefetch = 0 : i64, scratch_operands = 2 : i64, tpu.core_type = #tpu.core_type<tc>, window_params = [{pipeline_mode = #tpu.pipeline_mode<synchronous>, transform_indices = @transform_0, window_bounds = array<i64: 256, 1>}, {pipeline_mode = #tpu.pipeline_mode<synchronous>, transform_indices = @transform_1, window_bounds = array<i64: 256, 96>}, {transform_indices = @transform_2, window_bounds = array<i64: 96, 8, 512>}, {pipeline_mode = #tpu.pipeline_mode<synchronous>, transform_indices = @transform_3, window_bounds = array<i64: 1, 1>}]} {
    %eq3A = arith.constant 0 : i32
    %eq3A_0 = arith.cmpi eq, %arg0, %eq3A : i32
    %convert_element_type3A = arith.extui %eq3A_0 : i1 to i32
    %cond3A = arith.constant 0 : i32
    %cond3A_1 = arith.cmpi ne, %convert_element_type3A, %cond3A : i32
    scf.if %cond3A_1 {
      %broadcast_in_dim3A_628 = arith.constant 0x7F800000 : f32
      %broadcast_in_dim3A_629 = vector.broadcast %broadcast_in_dim3A_628 : f32 to vector<256x8xf32>
      %swap3A_630 = arith.constant 0 : index
      %swap3A_631 = arith.constant 0 : index
      %swap3A_632 = vector.load %arg5[%swap3A_630, %swap3A_631] : memref<256x8xf32, #tpu.memory_space<vmem>>, vector<256x8xf32>
      tpu.vector_store %arg5[%swap3A_630, %swap3A_631], %broadcast_in_dim3A_629 {strides = array<i32>} : memref<256x8xf32, #tpu.memory_space<vmem>>, vector<256x8xf32>,
    } else {
    }
    %get3A = arith.constant 0 : index
    %get3A_2 = arith.constant 0 : index
    %get3A_3 = vector.load %arg2[%get3A, %get3A_2] : memref<256x96xf32, #tpu.memory_space<vmem>>, vector<256x96xf32>
    %mul3A = arith.mulf %get3A_3, %get3A_3 : vector<256x96xf32>
    %reduce_sum3A = arith.constant dense<0.000000e+00> : vector<256xf32>
    %reduce_sum3A_4 = vector.multi_reduction <add>, %mul3A, %reduce_sum3A [1] : vector<256x96xf32> to vector<256xf32>
    %broadcast_in_dim3A = vector.shape_cast %reduce_sum3A_4 : vector<256xf32> to vector<256x1xf32>
    %get3A_5 = arith.constant 0 : index
    %get3A_6 = arith.constant 0 : index
    %get3A_7 = vector.load %arg1[%get3A_5, %get3A_6] : memref<256x1xi32, #tpu.memory_space<vmem>>, vector<256x1xi32>
    %get3A_8 = arith.constant 0 : index
    %get3A_9 = arith.constant 7 : index
    %get3A_10 = vector.load %arg5[%get3A_8, %get3A_9] : memref<256x8xf32, #tpu.memory_space<vmem>>, vector<256x1xf32>
    %broadcast_in_dim3A_11 = arith.constant 0.000000e+00 : f32
    %broadcast_in_dim3A_12 = vector.broadcast %broadcast_in_dim3A_11 : f32 to vector<256x1xf32>
    %get3A_13 = arith.constant 0 : index
    %get3A_14 = arith.constant 0 : index
    %get3A_15 = arith.constant 0 : index
    %get3A_16 = vector.load %arg3[%get3A_13, %get3A_14, %get3A_15] : memref<96x8x512xf32, #tpu.memory_space<vmem>>, vector<96x1x512xf32>
    %get3A_17 = vector.shape_cast %get3A_16 : vector<96x1x512xf32> to vector<96x512xf32>
    %mul3A_18 = arith.mulf %get3A_17, %get3A_17 : vector<96x512xf32>
    %reduce_sum3A_19 = arith.constant dense<0.000000e+00> : vector<512xf32>
    %reduce_sum3A_20 = vector.multi_reduction <add>, %mul3A_18, %reduce_sum3A_19 [0] : vector<96x512xf32> to vector<512xf32>
    %broadcast_in_dim3A_21 = vector.shape_cast %reduce_sum3A_20 : vector<512xf32> to vector<1x512xf32>
    %dot_general3A = arith.constant dense<0.000000e+00> : vector<256x512xf32>
    %dot_general3A_22 = tpu.matmul %get3A_3, %get3A_17, %dot_general3A {dimension_numbers = #tpu.dot_dimension_numbers<[1], [0], [0], [1], [0, 0, 1, 1], [], []>, transpose_lhs_hint = false} : vector<256x96xf32>, vector<96x512xf32>, vector<256x512xf32> -> vector<256x512xf32>
    %add3A = vector.broadcast %broadcast_in_dim3A : vector<256x1xf32> to vector<256x512xf32>
    %add3A_23 = vector.broadcast %broadcast_in_dim3A_21 : vector<1x512xf32> to vector<256x512xf32>
    %add3A_24 = arith.addf %add3A, %add3A_23 : vector<256x512xf32>
    %mul3A_25 = arith.constant 2.000000e+00 : f32
    %mul3A_26 = vector.broadcast %mul3A_25 : f32 to vector<256x512xf32>
    %mul3A_27 = arith.mulf %mul3A_26, %dot_general3A_22 : vector<256x512xf32>
    %sub3A = arith.subf %add3A_24, %mul3A_27 : vector<256x512xf32>
    %max3A = arith.constant 0.000000e+00 : f32
    %max3A_28 = vector.broadcast %max3A : f32 to vector<256x512xf32>
    %max3A_29 = arith.maximumf %sub3A, %max3A_28 : vector<256x512xf32>
    %mul3A_30 = arith.constant 4096 : i32
    %mul3A_31 = arith.muli %arg0, %mul3A_30 : i32
    %add3A_32 = arith.constant 0 : i32
    %add3A_33 = arith.addi %mul3A_31, %add3A_32 : i32
    %iota3A = tpu.iota {dimensions = array<i32: 1>} : vector<256x512xi32>
    %add3A_34 = vector.broadcast %add3A_33 : i32 to vector<256x512xi32>
    %add3A_35 = arith.addi %add3A_34, %iota3A : vector<256x512xi32>
    %sub3A_36 = vector.broadcast %get3A_7 : vector<256x1xi32> to vector<256x512xi32>
    %sub3A_37 = arith.subi %add3A_35, %sub3A_36 : vector<256x512xi32>
    %add3A_38 = arith.constant 2565 : i32
    %add3A_39 = vector.broadcast %add3A_38 : i32 to vector<256x512xi32>
    %add3A_40 = arith.addi %sub3A_37, %add3A_39 : vector<256x512xi32>
    %gt3A = arith.constant 0 : i32
    %gt3A_41 = vector.broadcast %gt3A : i32 to vector<256x512xi32>
    %gt3A_42 = arith.cmpi sgt, %add3A_35, %gt3A_41 : vector<256x512xi32>
    %ge3A = arith.constant 0 : i32
    %ge3A_43 = vector.broadcast %ge3A : i32 to vector<256x512xi32>
    %ge3A_44 = arith.cmpi sge, %add3A_40, %ge3A_43 : vector<256x512xi32>
    %and3A = arith.andi %gt3A_42, %ge3A_44 : vector<256x512xi1>
    %lt3A = arith.constant 5120 : i32
    %lt3A_45 = vector.broadcast %lt3A : i32 to vector<256x512xi32>
    %lt3A_46 = arith.cmpi slt, %add3A_40, %lt3A_45 : vector<256x512xi32>
    %and3A_47 = arith.andi %and3A, %lt3A_46 : vector<256x512xi1>
    %and3A_48 = arith.constant 511 : i32
    %and3A_49 = vector.broadcast %and3A_48 : i32 to vector<256x512xi32>
    %and3A_50 = arith.andi %add3A_40, %and3A_49 : vector<256x512xi32>
    %lt3A_51 = arith.constant 10 : i32
    %lt3A_52 = vector.broadcast %lt3A_51 : i32 to vector<256x512xi32>
    %lt3A_53 = arith.cmpi slt, %and3A_50, %lt3A_52 : vector<256x512xi32>
    %and3A_54 = arith.andi %and3A_47, %lt3A_53 : vector<256x512xi1>
    %add3A_55 = arith.constant 1.000000e+09 : f32
    %add3A_56 = vector.broadcast %add3A_55 : f32 to vector<256x512xf32>
    %add3A_57 = arith.addf %max3A_29, %add3A_56 : vector<256x512xf32>
    %select_n3A = arith.select %and3A_54, %add3A_57, %max3A_29 : vector<256x512xi1>, vector<256x512xf32>
    %lt3A_58 = vector.broadcast %get3A_10 : vector<256x1xf32> to vector<256x512xf32>
    %lt3A_59 = arith.cmpf olt, %select_n3A, %lt3A_58 : vector<256x512xf32>
    %jit3A = arith.constant 0x7F800000 : f32
    %broadcast_in_dim3A_60 = vector.broadcast %jit3A : f32 to vector<256x512xf32>
    %select_n3A_61 = arith.select %lt3A_59, %select_n3A, %broadcast_in_dim3A_60 : vector<256x512xi1>, vector<256x512xf32>
    %swap3A = arith.constant 0 : index
    %swap3A_62 = arith.constant 0 : index
    %swap3A_63 = vector.load %arg6[%swap3A, %swap3A_62] : memref<256x4096xf32, #tpu.memory_space<vmem>>, vector<256x512xf32>
    tpu.vector_store %arg6[%swap3A, %swap3A_62], %select_n3A_61 {strides = array<i32>} : memref<256x4096xf32, #tpu.memory_space<vmem>>, vector<256x512xf32>,
    %jit3A_64 = arith.constant 1.000000e+00 : f32
    %jit3A_65 = arith.constant 0.000000e+00 : f32
    %broadcast_in_dim3A_66 = vector.broadcast %jit3A_64 : f32 to vector<256x512xf32>
    %broadcast_in_dim3A_67 = vector.broadcast %jit3A_65 : f32 to vector<256x512xf32>
    %select_n3A_68 = arith.select %lt3A_59, %broadcast_in_dim3A_66, %broadcast_in_dim3A_67 : vector<256x512xi1>, vector<256x512xf32>
    %reduce_sum3A_69 = arith.constant dense<0.000000e+00> : vector<256xf32>
    %reduce_sum3A_70 = vector.multi_reduction <add>, %select_n3A_68, %reduce_sum3A_69 [1] : vector<256x512xf32> to vector<256xf32>
    %broadcast_in_dim3A_71 = vector.shape_cast %reduce_sum3A_70 : vector<256xf32> to vector<256x1xf32>
    %add3A_72 = arith.addf %broadcast_in_dim3A_12, %broadcast_in_dim3A_71 : vector<256x1xf32>
    %get3A_73 = arith.constant 0 : index
    %get3A_74 = arith.constant 1 : index
    %get3A_75 = arith.constant 0 : index
    %get3A_76 = vector.load %arg3[%get3A_73, %get3A_74, %get3A_75] : memref<96x8x512xf32, #tpu.memory_space<vmem>>, vector<96x1x512xf32>
    %get3A_77 = vector.shape_cast %get3A_76 : vector<96x1x512xf32> to vector<96x512xf32>
    %mul3A_78 = arith.mulf %get3A_77, %get3A_77 : vector<96x512xf32>
    %reduce_sum3A_79 = arith.constant dense<0.000000e+00> : vector<512xf32>
    %reduce_sum3A_80 = vector.multi_reduction <add>, %mul3A_78, %reduce_sum3A_79 [0] : vector<96x512xf32> to vector<512xf32>
    %broadcast_in_dim3A_81 = vector.shape_cast %reduce_sum3A_80 : vector<512xf32> to vector<1x512xf32>
    %dot_general3A_82 = arith.constant dense<0.000000e+00> : vector<256x512xf32>
    %dot_general3A_83 = tpu.matmul %get3A_3, %get3A_77, %dot_general3A_82 {dimension_numbers = #tpu.dot_dimension_numbers<[1], [0], [0], [1], [0, 0, 1, 1], [], []>, transpose_lhs_hint = false} : vector<256x96xf32>, vector<96x512xf32>, vector<256x512xf32> -> vector<256x512xf32>
    %add3A_84 = vector.broadcast %broadcast_in_dim3A : vector<256x1xf32> to vector<256x512xf32>
    %add3A_85 = vector.broadcast %broadcast_in_dim3A_81 : vector<1x512xf32> to vector<256x512xf32>
    %add3A_86 = arith.addf %add3A_84, %add3A_85 : vector<256x512xf32>
    %mul3A_87 = arith.constant 2.000000e+00 : f32
    %mul3A_88 = vector.broadcast %mul3A_87 : f32 to vector<256x512xf32>
    %mul3A_89 = arith.mulf %mul3A_88, %dot_general3A_83 : vector<256x512xf32>
    %sub3A_90 = arith.subf %add3A_86, %mul3A_89 : vector<256x512xf32>
    %max3A_91 = arith.constant 0.000000e+00 : f32
    %max3A_92 = vector.broadcast %max3A_91 : f32 to vector<256x512xf32>
    %max3A_93 = arith.maximumf %sub3A_90, %max3A_92 : vector<256x512xf32>
    %mul3A_94 = arith.constant 4096 : i32
    %mul3A_95 = arith.muli %arg0, %mul3A_94 : i32
    %add3A_96 = arith.constant 512 : i32
    %add3A_97 = arith.addi %mul3A_95, %add3A_96 : i32
    %iota3A_98 = tpu.iota {dimensions = array<i32: 1>} : vector<256x512xi32>
    %add3A_99 = vector.broadcast %add3A_97 : i32 to vector<256x512xi32>
    %add3A_100 = arith.addi %add3A_99, %iota3A_98 : vector<256x512xi32>
    %sub3A_101 = vector.broadcast %get3A_7 : vector<256x1xi32> to vector<256x512xi32>
    %sub3A_102 = arith.subi %add3A_100, %sub3A_101 : vector<256x512xi32>
    %add3A_103 = arith.constant 2565 : i32
    %add3A_104 = vector.broadcast %add3A_103 : i32 to vector<256x512xi32>
    %add3A_105 = arith.addi %sub3A_102, %add3A_104 : vector<256x512xi32>
    %gt3A_106 = arith.constant 0 : i32
    %gt3A_107 = vector.broadcast %gt3A_106 : i32 to vector<256x512xi32>
    %gt3A_108 = arith.cmpi sgt, %add3A_100, %gt3A_107 : vector<256x512xi32>
    %ge3A_109 = arith.constant 0 : i32
    %ge3A_110 = vector.broadcast %ge3A_109 : i32 to vector<256x512xi32>
    %ge3A_111 = arith.cmpi sge, %add3A_105, %ge3A_110 : vector<256x512xi32>
    %and3A_112 = arith.andi %gt3A_108, %ge3A_111 : vector<256x512xi1>
    %lt3A_113 = arith.constant 5120 : i32
    %lt3A_114 = vector.broadcast %lt3A_113 : i32 to vector<256x512xi32>
    %lt3A_115 = arith.cmpi slt, %add3A_105, %lt3A_114 : vector<256x512xi32>
    %and3A_116 = arith.andi %and3A_112, %lt3A_115 : vector<256x512xi1>
    %and3A_117 = arith.constant 511 : i32
    %and3A_118 = vector.broadcast %and3A_117 : i32 to vector<256x512xi32>
    %and3A_119 = arith.andi %add3A_105, %and3A_118 : vector<256x512xi32>
    %lt3A_120 = arith.constant 10 : i32
    %lt3A_121 = vector.broadcast %lt3A_120 : i32 to vector<256x512xi32>
    %lt3A_122 = arith.cmpi slt, %and3A_119, %lt3A_121 : vector<256x512xi32>
    %and3A_123 = arith.andi %and3A_116, %lt3A_122 : vector<256x512xi1>
    %add3A_124 = arith.constant 1.000000e+09 : f32
    %add3A_125 = vector.broadcast %add3A_124 : f32 to vector<256x512xf32>
    %add3A_126 = arith.addf %max3A_93, %add3A_125 : vector<256x512xf32>
    %select_n3A_127 = arith.select %and3A_123, %add3A_126, %max3A_93 : vector<256x512xi1>, vector<256x512xf32>
    %lt3A_128 = vector.broadcast %get3A_10 : vector<256x1xf32> to vector<256x512xf32>
    %lt3A_129 = arith.cmpf olt, %select_n3A_127, %lt3A_128 : vector<256x512xf32>
    %jit3A_130 = arith.constant 0x7F800000 : f32
    %broadcast_in_dim3A_131 = vector.broadcast %jit3A_130 : f32 to vector<256x512xf32>
    %select_n3A_132 = arith.select %lt3A_129, %select_n3A_127, %broadcast_in_dim3A_131 : vector<256x512xi1>, vector<256x512xf32>
    %swap3A_133 = arith.constant 0 : index
    %swap3A_134 = arith.constant 512 : index
    %swap3A_135 = vector.load %arg6[%swap3A_133, %swap3A_134] : memref<256x4096xf32, #tpu.memory_space<vmem>>, vector<256x512xf32>
    tpu.vector_store %arg6[%swap3A_133, %swap3A_134], %select_n3A_132 {strides = array<i32>} : memref<256x4096xf32, #tpu.memory_space<vmem>>, vector<256x512xf32>,
    %jit3A_136 = arith.constant 1.000000e+00 : f32
    %jit3A_137 = arith.constant 0.000000e+00 : f32
    %broadcast_in_dim3A_138 = vector.broadcast %jit3A_136 : f32 to vector<256x512xf32>
    %broadcast_in_dim3A_139 = vector.broadcast %jit3A_137 : f32 to vector<256x512xf32>
    %select_n3A_140 = arith.select %lt3A_129, %broadcast_in_dim3A_138, %broadcast_in_dim3A_139 : vector<256x512xi1>, vector<256x512xf32>
    %reduce_sum3A_141 = arith.constant dense<0.000000e+00> : vector<256xf32>
    %reduce_sum3A_142 = vector.multi_reduction <add>, %select_n3A_140, %reduce_sum3A_141 [1] : vector<256x512xf32> to vector<256xf32>
    %broadcast_in_dim3A_143 = vector.shape_cast %reduce_sum3A_142 : vector<256xf32> to vector<256x1xf32>
    %add3A_144 = arith.addf %add3A_72, %broadcast_in_dim3A_143 : vector<256x1xf32>
    %get3A_145 = arith.constant 0 : index
    %get3A_146 = arith.constant 2 : index
    %get3A_147 = arith.constant 0 : index
    %get3A_148 = vector.load %arg3[%get3A_145, %get3A_146, %get3A_147] : memref<96x8x512xf32, #tpu.memory_space<vmem>>, vector<96x1x512xf32>
    %get3A_149 = vector.shape_cast %get3A_148 : vector<96x1x512xf32> to vector<96x512xf32>
    %mul3A_150 = arith.mulf %get3A_149, %get3A_149 : vector<96x512xf32>
    %reduce_sum3A_151 = arith.constant dense<0.000000e+00> : vector<512xf32>
    %reduce_sum3A_152 = vector.multi_reduction <add>, %mul3A_150, %reduce_sum3A_151 [0] : vector<96x512xf32> to vector<512xf32>
    %broadcast_in_dim3A_153 = vector.shape_cast %reduce_sum3A_152 : vector<512xf32> to vector<1x512xf32>
    %dot_general3A_154 = arith.constant dense<0.000000e+00> : vector<256x512xf32>
    %dot_general3A_155 = tpu.matmul %get3A_3, %get3A_149, %dot_general3A_154 {dimension_numbers = #tpu.dot_dimension_numbers<[1], [0], [0], [1], [0, 0, 1, 1], [], []>, transpose_lhs_hint = false} : vector<256x96xf32>, vector<96x512xf32>, vector<256x512xf32> -> vector<256x512xf32>
    %add3A_156 = vector.broadcast %broadcast_in_dim3A : vector<256x1xf32> to vector<256x512xf32>
    %add3A_157 = vector.broadcast %broadcast_in_dim3A_153 : vector<1x512xf32> to vector<256x512xf32>
    %add3A_158 = arith.addf %add3A_156, %add3A_157 : vector<256x512xf32>
    %mul3A_159 = arith.constant 2.000000e+00 : f32
    %mul3A_160 = vector.broadcast %mul3A_159 : f32 to vector<256x512xf32>
    %mul3A_161 = arith.mulf %mul3A_160, %dot_general3A_155 : vector<256x512xf32>
    %sub3A_162 = arith.subf %add3A_158, %mul3A_161 : vector<256x512xf32>
    %max3A_163 = arith.constant 0.000000e+00 : f32
    %max3A_164 = vector.broadcast %max3A_163 : f32 to vector<256x512xf32>
    %max3A_165 = arith.maximumf %sub3A_162, %max3A_164 : vector<256x512xf32>
    %mul3A_166 = arith.constant 4096 : i32
    %mul3A_167 = arith.muli %arg0, %mul3A_166 : i32
    %add3A_168 = arith.constant 1024 : i32
    %add3A_169 = arith.addi %mul3A_167, %add3A_168 : i32
    %iota3A_170 = tpu.iota {dimensions = array<i32: 1>} : vector<256x512xi32>
    %add3A_171 = vector.broadcast %add3A_169 : i32 to vector<256x512xi32>
    %add3A_172 = arith.addi %add3A_171, %iota3A_170 : vector<256x512xi32>
    %sub3A_173 = vector.broadcast %get3A_7 : vector<256x1xi32> to vector<256x512xi32>
    %sub3A_174 = arith.subi %add3A_172, %sub3A_173 : vector<256x512xi32>
    %add3A_175 = arith.constant 2565 : i32
    %add3A_176 = vector.broadcast %add3A_175 : i32 to vector<256x512xi32>
    %add3A_177 = arith.addi %sub3A_174, %add3A_176 : vector<256x512xi32>
    %gt3A_178 = arith.constant 0 : i32
    %gt3A_179 = vector.broadcast %gt3A_178 : i32 to vector<256x512xi32>
    %gt3A_180 = arith.cmpi sgt, %add3A_172, %gt3A_179 : vector<256x512xi32>
    %ge3A_181 = arith.constant 0 : i32
    %ge3A_182 = vector.broadcast %ge3A_181 : i32 to vector<256x512xi32>
    %ge3A_183 = arith.cmpi sge, %add3A_177, %ge3A_182 : vector<256x512xi32>
    %and3A_184 = arith.andi %gt3A_180, %ge3A_183 : vector<256x512xi1>
    %lt3A_185 = arith.constant 5120 : i32
    %lt3A_186 = vector.broadcast %lt3A_185 : i32 to vector<256x512xi32>
    %lt3A_187 = arith.cmpi slt, %add3A_177, %lt3A_186 : vector<256x512xi32>
    %and3A_188 = arith.andi %and3A_184, %lt3A_187 : vector<256x512xi1>
    %and3A_189 = arith.constant 511 : i32
    %and3A_190 = vector.broadcast %and3A_189 : i32 to vector<256x512xi32>
    %and3A_191 = arith.andi %add3A_177, %and3A_190 : vector<256x512xi32>
    %lt3A_192 = arith.constant 10 : i32
    %lt3A_193 = vector.broadcast %lt3A_192 : i32 to vector<256x512xi32>
    %lt3A_194 = arith.cmpi slt, %and3A_191, %lt3A_193 : vector<256x512xi32>
    %and3A_195 = arith.andi %and3A_188, %lt3A_194 : vector<256x512xi1>
    %add3A_196 = arith.constant 1.000000e+09 : f32
    %add3A_197 = vector.broadcast %add3A_196 : f32 to vector<256x512xf32>
    %add3A_198 = arith.addf %max3A_165, %add3A_197 : vector<256x512xf32>
    %select_n3A_199 = arith.select %and3A_195, %add3A_198, %max3A_165 : vector<256x512xi1>, vector<256x512xf32>
    %lt3A_200 = vector.broadcast %get3A_10 : vector<256x1xf32> to vector<256x512xf32>
    %lt3A_201 = arith.cmpf olt, %select_n3A_199, %lt3A_200 : vector<256x512xf32>
    %jit3A_202 = arith.constant 0x7F800000 : f32
    %broadcast_in_dim3A_203 = vector.broadcast %jit3A_202 : f32 to vector<256x512xf32>
    %select_n3A_204 = arith.select %lt3A_201, %select_n3A_199, %broadcast_in_dim3A_203 : vector<256x512xi1>, vector<256x512xf32>
    %swap3A_205 = arith.constant 0 : index
    %swap3A_206 = arith.constant 1024 : index
    %swap3A_207 = vector.load %arg6[%swap3A_205, %swap3A_206] : memref<256x4096xf32, #tpu.memory_space<vmem>>, vector<256x512xf32>
    tpu.vector_store %arg6[%swap3A_205, %swap3A_206], %select_n3A_204 {strides = array<i32>} : memref<256x4096xf32, #tpu.memory_space<vmem>>, vector<256x512xf32>,
    %jit3A_208 = arith.constant 1.000000e+00 : f32
    %jit3A_209 = arith.constant 0.000000e+00 : f32
    %broadcast_in_dim3A_210 = vector.broadcast %jit3A_208 : f32 to vector<256x512xf32>
    %broadcast_in_dim3A_211 = vector.broadcast %jit3A_209 : f32 to vector<256x512xf32>
    %select_n3A_212 = arith.select %lt3A_201, %broadcast_in_dim3A_210, %broadcast_in_dim3A_211 : vector<256x512xi1>, vector<256x512xf32>
    %reduce_sum3A_213 = arith.constant dense<0.000000e+00> : vector<256xf32>
    %reduce_sum3A_214 = vector.multi_reduction <add>, %select_n3A_212, %reduce_sum3A_213 [1] : vector<256x512xf32> to vector<256xf32>
    %broadcast_in_dim3A_215 = vector.shape_cast %reduce_sum3A_214 : vector<256xf32> to vector<256x1xf32>
    %add3A_216 = arith.addf %add3A_144, %broadcast_in_dim3A_215 : vector<256x1xf32>
    %get3A_217 = arith.constant 0 : index
    %get3A_218 = arith.constant 3 : index
    %get3A_219 = arith.constant 0 : index
    %get3A_220 = vector.load %arg3[%get3A_217, %get3A_218, %get3A_219] : memref<96x8x512xf32, #tpu.memory_space<vmem>>, vector<96x1x512xf32>
    %get3A_221 = vector.shape_cast %get3A_220 : vector<96x1x512xf32> to vector<96x512xf32>
    %mul3A_222 = arith.mulf %get3A_221, %get3A_221 : vector<96x512xf32>
    %reduce_sum3A_223 = arith.constant dense<0.000000e+00> : vector<512xf32>
    %reduce_sum3A_224 = vector.multi_reduction <add>, %mul3A_222, %reduce_sum3A_223 [0] : vector<96x512xf32> to vector<512xf32>
    %broadcast_in_dim3A_225 = vector.shape_cast %reduce_sum3A_224 : vector<512xf32> to vector<1x512xf32>
    %dot_general3A_226 = arith.constant dense<0.000000e+00> : vector<256x512xf32>
    %dot_general3A_227 = tpu.matmul %get3A_3, %get3A_221, %dot_general3A_226 {dimension_numbers = #tpu.dot_dimension_numbers<[1], [0], [0], [1], [0, 0, 1, 1], [], []>, transpose_lhs_hint = false} : vector<256x96xf32>, vector<96x512xf32>, vector<256x512xf32> -> vector<256x512xf32>
    %add3A_228 = vector.broadcast %broadcast_in_dim3A : vector<256x1xf32> to vector<256x512xf32>
    %add3A_229 = vector.broadcast %broadcast_in_dim3A_225 : vector<1x512xf32> to vector<256x512xf32>
    %add3A_230 = arith.addf %add3A_228, %add3A_229 : vector<256x512xf32>
    %mul3A_231 = arith.constant 2.000000e+00 : f32
    %mul3A_232 = vector.broadcast %mul3A_231 : f32 to vector<256x512xf32>
    %mul3A_233 = arith.mulf %mul3A_232, %dot_general3A_227 : vector<256x512xf32>
    %sub3A_234 = arith.subf %add3A_230, %mul3A_233 : vector<256x512xf32>
    %max3A_235 = arith.constant 0.000000e+00 : f32
    %max3A_236 = vector.broadcast %max3A_235 : f32 to vector<256x512xf32>
    %max3A_237 = arith.maximumf %sub3A_234, %max3A_236 : vector<256x512xf32>
    %mul3A_238 = arith.constant 4096 : i32
    %mul3A_239 = arith.muli %arg0, %mul3A_238 : i32
    %add3A_240 = arith.constant 1536 : i32
    %add3A_241 = arith.addi %mul3A_239, %add3A_240 : i32
    %iota3A_242 = tpu.iota {dimensions = array<i32: 1>} : vector<256x512xi32>
    %add3A_243 = vector.broadcast %add3A_241 : i32 to vector<256x512xi32>
    %add3A_244 = arith.addi %add3A_243, %iota3A_242 : vector<256x512xi32>
    %sub3A_245 = vector.broadcast %get3A_7 : vector<256x1xi32> to vector<256x512xi32>
    %sub3A_246 = arith.subi %add3A_244, %sub3A_245 : vector<256x512xi32>
    %add3A_247 = arith.constant 2565 : i32
    %add3A_248 = vector.broadcast %add3A_247 : i32 to vector<256x512xi32>
    %add3A_249 = arith.addi %sub3A_246, %add3A_248 : vector<256x512xi32>
    %gt3A_250 = arith.constant 0 : i32
    %gt3A_251 = vector.broadcast %gt3A_250 : i32 to vector<256x512xi32>
    %gt3A_252 = arith.cmpi sgt, %add3A_244, %gt3A_251 : vector<256x512xi32>
    %ge3A_253 = arith.constant 0 : i32
    %ge3A_254 = vector.broadcast %ge3A_253 : i32 to vector<256x512xi32>
    %ge3A_255 = arith.cmpi sge, %add3A_249, %ge3A_254 : vector<256x512xi32>
    %and3A_256 = arith.andi %gt3A_252, %ge3A_255 : vector<256x512xi1>
    %lt3A_257 = arith.constant 5120 : i32
    %lt3A_258 = vector.broadcast %lt3A_257 : i32 to vector<256x512xi32>
    %lt3A_259 = arith.cmpi slt, %add3A_249, %lt3A_258 : vector<256x512xi32>
    %and3A_260 = arith.andi %and3A_256, %lt3A_259 : vector<256x512xi1>
    %and3A_261 = arith.constant 511 : i32
    %and3A_262 = vector.broadcast %and3A_261 : i32 to vector<256x512xi32>
    %and3A_263 = arith.andi %add3A_249, %and3A_262 : vector<256x512xi32>
    %lt3A_264 = arith.constant 10 : i32
    %lt3A_265 = vector.broadcast %lt3A_264 : i32 to vector<256x512xi32>
    %lt3A_266 = arith.cmpi slt, %and3A_263, %lt3A_265 : vector<256x512xi32>
    %and3A_267 = arith.andi %and3A_260, %lt3A_266 : vector<256x512xi1>
    %add3A_268 = arith.constant 1.000000e+09 : f32
    %add3A_269 = vector.broadcast %add3A_268 : f32 to vector<256x512xf32>
    %add3A_270 = arith.addf %max3A_237, %add3A_269 : vector<256x512xf32>
    %select_n3A_271 = arith.select %and3A_267, %add3A_270, %max3A_237 : vector<256x512xi1>, vector<256x512xf32>
    %lt3A_272 = vector.broadcast %get3A_10 : vector<256x1xf32> to vector<256x512xf32>
    %lt3A_273 = arith.cmpf olt, %select_n3A_271, %lt3A_272 : vector<256x512xf32>
    %jit3A_274 = arith.constant 0x7F800000 : f32
    %broadcast_in_dim3A_275 = vector.broadcast %jit3A_274 : f32 to vector<256x512xf32>
    %select_n3A_276 = arith.select %lt3A_273, %select_n3A_271, %broadcast_in_dim3A_275 : vector<256x512xi1>, vector<256x512xf32>
    %swap3A_277 = arith.constant 0 : index
    %swap3A_278 = arith.constant 1536 : index
    %swap3A_279 = vector.load %arg6[%swap3A_277, %swap3A_278] : memref<256x4096xf32, #tpu.memory_space<vmem>>, vector<256x512xf32>
    tpu.vector_store %arg6[%swap3A_277, %swap3A_278], %select_n3A_276 {strides = array<i32>} : memref<256x4096xf32, #tpu.memory_space<vmem>>, vector<256x512xf32>,
    %jit3A_280 = arith.constant 1.000000e+00 : f32
    %jit3A_281 = arith.constant 0.000000e+00 : f32
    %broadcast_in_dim3A_282 = vector.broadcast %jit3A_280 : f32 to vector<256x512xf32>
    %broadcast_in_dim3A_283 = vector.broadcast %jit3A_281 : f32 to vector<256x512xf32>
    %select_n3A_284 = arith.select %lt3A_273, %broadcast_in_dim3A_282, %broadcast_in_dim3A_283 : vector<256x512xi1>, vector<256x512xf32>
    %reduce_sum3A_285 = arith.constant dense<0.000000e+00> : vector<256xf32>
    %reduce_sum3A_286 = vector.multi_reduction <add>, %select_n3A_284, %reduce_sum3A_285 [1] : vector<256x512xf32> to vector<256xf32>
    %broadcast_in_dim3A_287 = vector.shape_cast %reduce_sum3A_286 : vector<256xf32> to vector<256x1xf32>
    %add3A_288 = arith.addf %add3A_216, %broadcast_in_dim3A_287 : vector<256x1xf32>
    %get3A_289 = arith.constant 0 : index
    %get3A_290 = arith.constant 4 : index
    %get3A_291 = arith.constant 0 : index
    %get3A_292 = vector.load %arg3[%get3A_289, %get3A_290, %get3A_291] : memref<96x8x512xf32, #tpu.memory_space<vmem>>, vector<96x1x512xf32>
    %get3A_293 = vector.shape_cast %get3A_292 : vector<96x1x512xf32> to vector<96x512xf32>
    %mul3A_294 = arith.mulf %get3A_293, %get3A_293 : vector<96x512xf32>
    %reduce_sum3A_295 = arith.constant dense<0.000000e+00> : vector<512xf32>
    %reduce_sum3A_296 = vector.multi_reduction <add>, %mul3A_294, %reduce_sum3A_295 [0] : vector<96x512xf32> to vector<512xf32>
    %broadcast_in_dim3A_297 = vector.shape_cast %reduce_sum3A_296 : vector<512xf32> to vector<1x512xf32>
    %dot_general3A_298 = arith.constant dense<0.000000e+00> : vector<256x512xf32>
    %dot_general3A_299 = tpu.matmul %get3A_3, %get3A_293, %dot_general3A_298 {dimension_numbers = #tpu.dot_dimension_numbers<[1], [0], [0], [1], [0, 0, 1, 1], [], []>, transpose_lhs_hint = false} : vector<256x96xf32>, vector<96x512xf32>, vector<256x512xf32> -> vector<256x512xf32>
    %add3A_300 = vector.broadcast %broadcast_in_dim3A : vector<256x1xf32> to vector<256x512xf32>
    %add3A_301 = vector.broadcast %broadcast_in_dim3A_297 : vector<1x512xf32> to vector<256x512xf32>
    %add3A_302 = arith.addf %add3A_300, %add3A_301 : vector<256x512xf32>
    %mul3A_303 = arith.constant 2.000000e+00 : f32
    %mul3A_304 = vector.broadcast %mul3A_303 : f32 to vector<256x512xf32>
    %mul3A_305 = arith.mulf %mul3A_304, %dot_general3A_299 : vector<256x512xf32>
    %sub3A_306 = arith.subf %add3A_302, %mul3A_305 : vector<256x512xf32>
    %max3A_307 = arith.constant 0.000000e+00 : f32
    %max3A_308 = vector.broadcast %max3A_307 : f32 to vector<256x512xf32>
    %max3A_309 = arith.maximumf %sub3A_306, %max3A_308 : vector<256x512xf32>
    %mul3A_310 = arith.constant 4096 : i32
    %mul3A_311 = arith.muli %arg0, %mul3A_310 : i32
    %add3A_312 = arith.constant 2048 : i32
    %add3A_313 = arith.addi %mul3A_311, %add3A_312 : i32
    %iota3A_314 = tpu.iota {dimensions = array<i32: 1>} : vector<256x512xi32>
    %add3A_315 = vector.broadcast %add3A_313 : i32 to vector<256x512xi32>
    %add3A_316 = arith.addi %add3A_315, %iota3A_314 : vector<256x512xi32>
    %sub3A_317 = vector.broadcast %get3A_7 : vector<256x1xi32> to vector<256x512xi32>
    %sub3A_318 = arith.subi %add3A_316, %sub3A_317 : vector<256x512xi32>
    %add3A_319 = arith.constant 2565 : i32
    %add3A_320 = vector.broadcast %add3A_319 : i32 to vector<256x512xi32>
    %add3A_321 = arith.addi %sub3A_318, %add3A_320 : vector<256x512xi32>
    %gt3A_322 = arith.constant 0 : i32
    %gt3A_323 = vector.broadcast %gt3A_322 : i32 to vector<256x512xi32>
    %gt3A_324 = arith.cmpi sgt, %add3A_316, %gt3A_323 : vector<256x512xi32>
    %ge3A_325 = arith.constant 0 : i32
    %ge3A_326 = vector.broadcast %ge3A_325 : i32 to vector<256x512xi32>
    %ge3A_327 = arith.cmpi sge, %add3A_321, %ge3A_326 : vector<256x512xi32>
    %and3A_328 = arith.andi %gt3A_324, %ge3A_327 : vector<256x512xi1>
    %lt3A_329 = arith.constant 5120 : i32
    %lt3A_330 = vector.broadcast %lt3A_329 : i32 to vector<256x512xi32>
    %lt3A_331 = arith.cmpi slt, %add3A_321, %lt3A_330 : vector<256x512xi32>
    %and3A_332 = arith.andi %and3A_328, %lt3A_331 : vector<256x512xi1>
    %and3A_333 = arith.constant 511 : i32
    %and3A_334 = vector.broadcast %and3A_333 : i32 to vector<256x512xi32>
    %and3A_335 = arith.andi %add3A_321, %and3A_334 : vector<256x512xi32>
    %lt3A_336 = arith.constant 10 : i32
    %lt3A_337 = vector.broadcast %lt3A_336 : i32 to vector<256x512xi32>
    %lt3A_338 = arith.cmpi slt, %and3A_335, %lt3A_337 : vector<256x512xi32>
    %and3A_339 = arith.andi %and3A_332, %lt3A_338 : vector<256x512xi1>
    %add3A_340 = arith.constant 1.000000e+09 : f32
    %add3A_341 = vector.broadcast %add3A_340 : f32 to vector<256x512xf32>
    %add3A_342 = arith.addf %max3A_309, %add3A_341 : vector<256x512xf32>
    %select_n3A_343 = arith.select %and3A_339, %add3A_342, %max3A_309 : vector<256x512xi1>, vector<256x512xf32>
    %lt3A_344 = vector.broadcast %get3A_10 : vector<256x1xf32> to vector<256x512xf32>
    %lt3A_345 = arith.cmpf olt, %select_n3A_343, %lt3A_344 : vector<256x512xf32>
    %jit3A_346 = arith.constant 0x7F800000 : f32
    %broadcast_in_dim3A_347 = vector.broadcast %jit3A_346 : f32 to vector<256x512xf32>
    %select_n3A_348 = arith.select %lt3A_345, %select_n3A_343, %broadcast_in_dim3A_347 : vector<256x512xi1>, vector<256x512xf32>
    %swap3A_349 = arith.constant 0 : index
    %swap3A_350 = arith.constant 2048 : index
    %swap3A_351 = vector.load %arg6[%swap3A_349, %swap3A_350] : memref<256x4096xf32, #tpu.memory_space<vmem>>, vector<256x512xf32>
    tpu.vector_store %arg6[%swap3A_349, %swap3A_350], %select_n3A_348 {strides = array<i32>} : memref<256x4096xf32, #tpu.memory_space<vmem>>, vector<256x512xf32>,
    %jit3A_352 = arith.constant 1.000000e+00 : f32
    %jit3A_353 = arith.constant 0.000000e+00 : f32
    %broadcast_in_dim3A_354 = vector.broadcast %jit3A_352 : f32 to vector<256x512xf32>
    %broadcast_in_dim3A_355 = vector.broadcast %jit3A_353 : f32 to vector<256x512xf32>
    %select_n3A_356 = arith.select %lt3A_345, %broadcast_in_dim3A_354, %broadcast_in_dim3A_355 : vector<256x512xi1>, vector<256x512xf32>
    %reduce_sum3A_357 = arith.constant dense<0.000000e+00> : vector<256xf32>
    %reduce_sum3A_358 = vector.multi_reduction <add>, %select_n3A_356, %reduce_sum3A_357 [1] : vector<256x512xf32> to vector<256xf32>
    %broadcast_in_dim3A_359 = vector.shape_cast %reduce_sum3A_358 : vector<256xf32> to vector<256x1xf32>
    %add3A_360 = arith.addf %add3A_288, %broadcast_in_dim3A_359 : vector<256x1xf32>
    %get3A_361 = arith.constant 0 : index
    %get3A_362 = arith.constant 5 : index
    %get3A_363 = arith.constant 0 : index
    %get3A_364 = vector.load %arg3[%get3A_361, %get3A_362, %get3A_363] : memref<96x8x512xf32, #tpu.memory_space<vmem>>, vector<96x1x512xf32>
    %get3A_365 = vector.shape_cast %get3A_364 : vector<96x1x512xf32> to vector<96x512xf32>
    %mul3A_366 = arith.mulf %get3A_365, %get3A_365 : vector<96x512xf32>
    %reduce_sum3A_367 = arith.constant dense<0.000000e+00> : vector<512xf32>
    %reduce_sum3A_368 = vector.multi_reduction <add>, %mul3A_366, %reduce_sum3A_367 [0] : vector<96x512xf32> to vector<512xf32>
    %broadcast_in_dim3A_369 = vector.shape_cast %reduce_sum3A_368 : vector<512xf32> to vector<1x512xf32>
    %dot_general3A_370 = arith.constant dense<0.000000e+00> : vector<256x512xf32>
    %dot_general3A_371 = tpu.matmul %get3A_3, %get3A_365, %dot_general3A_370 {dimension_numbers = #tpu.dot_dimension_numbers<[1], [0], [0], [1], [0, 0, 1, 1], [], []>, transpose_lhs_hint = false} : vector<256x96xf32>, vector<96x512xf32>, vector<256x512xf32> -> vector<256x512xf32>
    %add3A_372 = vector.broadcast %broadcast_in_dim3A : vector<256x1xf32> to vector<256x512xf32>
    %add3A_373 = vector.broadcast %broadcast_in_dim3A_369 : vector<1x512xf32> to vector<256x512xf32>
    %add3A_374 = arith.addf %add3A_372, %add3A_373 : vector<256x512xf32>
    %mul3A_375 = arith.constant 2.000000e+00 : f32
    %mul3A_376 = vector.broadcast %mul3A_375 : f32 to vector<256x512xf32>
    %mul3A_377 = arith.mulf %mul3A_376, %dot_general3A_371 : vector<256x512xf32>
    %sub3A_378 = arith.subf %add3A_374, %mul3A_377 : vector<256x512xf32>
    %max3A_379 = arith.constant 0.000000e+00 : f32
    %max3A_380 = vector.broadcast %max3A_379 : f32 to vector<256x512xf32>
    %max3A_381 = arith.maximumf %sub3A_378, %max3A_380 : vector<256x512xf32>
    %mul3A_382 = arith.constant 4096 : i32
    %mul3A_383 = arith.muli %arg0, %mul3A_382 : i32
    %add3A_384 = arith.constant 2560 : i32
    %add3A_385 = arith.addi %mul3A_383, %add3A_384 : i32
    %iota3A_386 = tpu.iota {dimensions = array<i32: 1>} : vector<256x512xi32>
    %add3A_387 = vector.broadcast %add3A_385 : i32 to vector<256x512xi32>
    %add3A_388 = arith.addi %add3A_387, %iota3A_386 : vector<256x512xi32>
    %sub3A_389 = vector.broadcast %get3A_7 : vector<256x1xi32> to vector<256x512xi32>
    %sub3A_390 = arith.subi %add3A_388, %sub3A_389 : vector<256x512xi32>
    %add3A_391 = arith.constant 2565 : i32
    %add3A_392 = vector.broadcast %add3A_391 : i32 to vector<256x512xi32>
    %add3A_393 = arith.addi %sub3A_390, %add3A_392 : vector<256x512xi32>
    %gt3A_394 = arith.constant 0 : i32
    %gt3A_395 = vector.broadcast %gt3A_394 : i32 to vector<256x512xi32>
    %gt3A_396 = arith.cmpi sgt, %add3A_388, %gt3A_395 : vector<256x512xi32>
    %ge3A_397 = arith.constant 0 : i32
    %ge3A_398 = vector.broadcast %ge3A_397 : i32 to vector<256x512xi32>
    %ge3A_399 = arith.cmpi sge, %add3A_393, %ge3A_398 : vector<256x512xi32>
    %and3A_400 = arith.andi %gt3A_396, %ge3A_399 : vector<256x512xi1>
    %lt3A_401 = arith.constant 5120 : i32
    %lt3A_402 = vector.broadcast %lt3A_401 : i32 to vector<256x512xi32>
    %lt3A_403 = arith.cmpi slt, %add3A_393, %lt3A_402 : vector<256x512xi32>
    %and3A_404 = arith.andi %and3A_400, %lt3A_403 : vector<256x512xi1>
    %and3A_405 = arith.constant 511 : i32
    %and3A_406 = vector.broadcast %and3A_405 : i32 to vector<256x512xi32>
    %and3A_407 = arith.andi %add3A_393, %and3A_406 : vector<256x512xi32>
    %lt3A_408 = arith.constant 10 : i32
    %lt3A_409 = vector.broadcast %lt3A_408 : i32 to vector<256x512xi32>
    %lt3A_410 = arith.cmpi slt, %and3A_407, %lt3A_409 : vector<256x512xi32>
    %and3A_411 = arith.andi %and3A_404, %lt3A_410 : vector<256x512xi1>
    %add3A_412 = arith.constant 1.000000e+09 : f32
    %add3A_413 = vector.broadcast %add3A_412 : f32 to vector<256x512xf32>
    %add3A_414 = arith.addf %max3A_381, %add3A_413 : vector<256x512xf32>
    %select_n3A_415 = arith.select %and3A_411, %add3A_414, %max3A_381 : vector<256x512xi1>, vector<256x512xf32>
    %lt3A_416 = vector.broadcast %get3A_10 : vector<256x1xf32> to vector<256x512xf32>
    %lt3A_417 = arith.cmpf olt, %select_n3A_415, %lt3A_416 : vector<256x512xf32>
    %jit3A_418 = arith.constant 0x7F800000 : f32
    %broadcast_in_dim3A_419 = vector.broadcast %jit3A_418 : f32 to vector<256x512xf32>
    %select_n3A_420 = arith.select %lt3A_417, %select_n3A_415, %broadcast_in_dim3A_419 : vector<256x512xi1>, vector<256x512xf32>
    %swap3A_421 = arith.constant 0 : index
    %swap3A_422 = arith.constant 2560 : index
    %swap3A_423 = vector.load %arg6[%swap3A_421, %swap3A_422] : memref<256x4096xf32, #tpu.memory_space<vmem>>, vector<256x512xf32>
    tpu.vector_store %arg6[%swap3A_421, %swap3A_422], %select_n3A_420 {strides = array<i32>} : memref<256x4096xf32, #tpu.memory_space<vmem>>, vector<256x512xf32>,
    %jit3A_424 = arith.constant 1.000000e+00 : f32
    %jit3A_425 = arith.constant 0.000000e+00 : f32
    %broadcast_in_dim3A_426 = vector.broadcast %jit3A_424 : f32 to vector<256x512xf32>
    %broadcast_in_dim3A_427 = vector.broadcast %jit3A_425 : f32 to vector<256x512xf32>
    %select_n3A_428 = arith.select %lt3A_417, %broadcast_in_dim3A_426, %broadcast_in_dim3A_427 : vector<256x512xi1>, vector<256x512xf32>
    %reduce_sum3A_429 = arith.constant dense<0.000000e+00> : vector<256xf32>
    %reduce_sum3A_430 = vector.multi_reduction <add>, %select_n3A_428, %reduce_sum3A_429 [1] : vector<256x512xf32> to vector<256xf32>
    %broadcast_in_dim3A_431 = vector.shape_cast %reduce_sum3A_430 : vector<256xf32> to vector<256x1xf32>
    %add3A_432 = arith.addf %add3A_360, %broadcast_in_dim3A_431 : vector<256x1xf32>
    %get3A_433 = arith.constant 0 : index
    %get3A_434 = arith.constant 6 : index
    %get3A_435 = arith.constant 0 : index
    %get3A_436 = vector.load %arg3[%get3A_433, %get3A_434, %get3A_435] : memref<96x8x512xf32, #tpu.memory_space<vmem>>, vector<96x1x512xf32>
    %get3A_437 = vector.shape_cast %get3A_436 : vector<96x1x512xf32> to vector<96x512xf32>
    %mul3A_438 = arith.mulf %get3A_437, %get3A_437 : vector<96x512xf32>
    %reduce_sum3A_439 = arith.constant dense<0.000000e+00> : vector<512xf32>
    %reduce_sum3A_440 = vector.multi_reduction <add>, %mul3A_438, %reduce_sum3A_439 [0] : vector<96x512xf32> to vector<512xf32>
    %broadcast_in_dim3A_441 = vector.shape_cast %reduce_sum3A_440 : vector<512xf32> to vector<1x512xf32>
    %dot_general3A_442 = arith.constant dense<0.000000e+00> : vector<256x512xf32>
    %dot_general3A_443 = tpu.matmul %get3A_3, %get3A_437, %dot_general3A_442 {dimension_numbers = #tpu.dot_dimension_numbers<[1], [0], [0], [1], [0, 0, 1, 1], [], []>, transpose_lhs_hint = false} : vector<256x96xf32>, vector<96x512xf32>, vector<256x512xf32> -> vector<256x512xf32>
    %add3A_444 = vector.broadcast %broadcast_in_dim3A : vector<256x1xf32> to vector<256x512xf32>
    %add3A_445 = vector.broadcast %broadcast_in_dim3A_441 : vector<1x512xf32> to vector<256x512xf32>
    %add3A_446 = arith.addf %add3A_444, %add3A_445 : vector<256x512xf32>
    %mul3A_447 = arith.constant 2.000000e+00 : f32
    %mul3A_448 = vector.broadcast %mul3A_447 : f32 to vector<256x512xf32>
    %mul3A_449 = arith.mulf %mul3A_448, %dot_general3A_443 : vector<256x512xf32>
    %sub3A_450 = arith.subf %add3A_446, %mul3A_449 : vector<256x512xf32>
    %max3A_451 = arith.constant 0.000000e+00 : f32
    %max3A_452 = vector.broadcast %max3A_451 : f32 to vector<256x512xf32>
    %max3A_453 = arith.maximumf %sub3A_450, %max3A_452 : vector<256x512xf32>
    %mul3A_454 = arith.constant 4096 : i32
    %mul3A_455 = arith.muli %arg0, %mul3A_454 : i32
    %add3A_456 = arith.constant 3072 : i32
    %add3A_457 = arith.addi %mul3A_455, %add3A_456 : i32
    %iota3A_458 = tpu.iota {dimensions = array<i32: 1>} : vector<256x512xi32>
    %add3A_459 = vector.broadcast %add3A_457 : i32 to vector<256x512xi32>
    %add3A_460 = arith.addi %add3A_459, %iota3A_458 : vector<256x512xi32>
    %sub3A_461 = vector.broadcast %get3A_7 : vector<256x1xi32> to vector<256x512xi32>
    %sub3A_462 = arith.subi %add3A_460, %sub3A_461 : vector<256x512xi32>
    %add3A_463 = arith.constant 2565 : i32
    %add3A_464 = vector.broadcast %add3A_463 : i32 to vector<256x512xi32>
    %add3A_465 = arith.addi %sub3A_462, %add3A_464 : vector<256x512xi32>
    %gt3A_466 = arith.constant 0 : i32
    %gt3A_467 = vector.broadcast %gt3A_466 : i32 to vector<256x512xi32>
    %gt3A_468 = arith.cmpi sgt, %add3A_460, %gt3A_467 : vector<256x512xi32>
    %ge3A_469 = arith.constant 0 : i32
    %ge3A_470 = vector.broadcast %ge3A_469 : i32 to vector<256x512xi32>
    %ge3A_471 = arith.cmpi sge, %add3A_465, %ge3A_470 : vector<256x512xi32>
    %and3A_472 = arith.andi %gt3A_468, %ge3A_471 : vector<256x512xi1>
    %lt3A_473 = arith.constant 5120 : i32
    %lt3A_474 = vector.broadcast %lt3A_473 : i32 to vector<256x512xi32>
    %lt3A_475 = arith.cmpi slt, %add3A_465, %lt3A_474 : vector<256x512xi32>
    %and3A_476 = arith.andi %and3A_472, %lt3A_475 : vector<256x512xi1>
    %and3A_477 = arith.constant 511 : i32
    %and3A_478 = vector.broadcast %and3A_477 : i32 to vector<256x512xi32>
    %and3A_479 = arith.andi %add3A_465, %and3A_478 : vector<256x512xi32>
    %lt3A_480 = arith.constant 10 : i32
    %lt3A_481 = vector.broadcast %lt3A_480 : i32 to vector<256x512xi32>
    %lt3A_482 = arith.cmpi slt, %and3A_479, %lt3A_481 : vector<256x512xi32>
    %and3A_483 = arith.andi %and3A_476, %lt3A_482 : vector<256x512xi1>
    %add3A_484 = arith.constant 1.000000e+09 : f32
    %add3A_485 = vector.broadcast %add3A_484 : f32 to vector<256x512xf32>
    %add3A_486 = arith.addf %max3A_453, %add3A_485 : vector<256x512xf32>
    %select_n3A_487 = arith.select %and3A_483, %add3A_486, %max3A_453 : vector<256x512xi1>, vector<256x512xf32>
    %lt3A_488 = vector.broadcast %get3A_10 : vector<256x1xf32> to vector<256x512xf32>
    %lt3A_489 = arith.cmpf olt, %select_n3A_487, %lt3A_488 : vector<256x512xf32>
    %jit3A_490 = arith.constant 0x7F800000 : f32
    %broadcast_in_dim3A_491 = vector.broadcast %jit3A_490 : f32 to vector<256x512xf32>
    %select_n3A_492 = arith.select %lt3A_489, %select_n3A_487, %broadcast_in_dim3A_491 : vector<256x512xi1>, vector<256x512xf32>
    %swap3A_493 = arith.constant 0 : index
    %swap3A_494 = arith.constant 3072 : index
    %swap3A_495 = vector.load %arg6[%swap3A_493, %swap3A_494] : memref<256x4096xf32, #tpu.memory_space<vmem>>, vector<256x512xf32>
    tpu.vector_store %arg6[%swap3A_493, %swap3A_494], %select_n3A_492 {strides = array<i32>} : memref<256x4096xf32, #tpu.memory_space<vmem>>, vector<256x512xf32>,
    %jit3A_496 = arith.constant 1.000000e+00 : f32
    %jit3A_497 = arith.constant 0.000000e+00 : f32
    %broadcast_in_dim3A_498 = vector.broadcast %jit3A_496 : f32 to vector<256x512xf32>
    %broadcast_in_dim3A_499 = vector.broadcast %jit3A_497 : f32 to vector<256x512xf32>
    %select_n3A_500 = arith.select %lt3A_489, %broadcast_in_dim3A_498, %broadcast_in_dim3A_499 : vector<256x512xi1>, vector<256x512xf32>
    %reduce_sum3A_501 = arith.constant dense<0.000000e+00> : vector<256xf32>
    %reduce_sum3A_502 = vector.multi_reduction <add>, %select_n3A_500, %reduce_sum3A_501 [1] : vector<256x512xf32> to vector<256xf32>
    %broadcast_in_dim3A_503 = vector.shape_cast %reduce_sum3A_502 : vector<256xf32> to vector<256x1xf32>
    %add3A_504 = arith.addf %add3A_432, %broadcast_in_dim3A_503 : vector<256x1xf32>
    %get3A_505 = arith.constant 0 : index
    %get3A_506 = arith.constant 7 : index
    %get3A_507 = arith.constant 0 : index
    %get3A_508 = vector.load %arg3[%get3A_505, %get3A_506, %get3A_507] : memref<96x8x512xf32, #tpu.memory_space<vmem>>, vector<96x1x512xf32>
    %get3A_509 = vector.shape_cast %get3A_508 : vector<96x1x512xf32> to vector<96x512xf32>
    %mul3A_510 = arith.mulf %get3A_509, %get3A_509 : vector<96x512xf32>
    %reduce_sum3A_511 = arith.constant dense<0.000000e+00> : vector<512xf32>
    %reduce_sum3A_512 = vector.multi_reduction <add>, %mul3A_510, %reduce_sum3A_511 [0] : vector<96x512xf32> to vector<512xf32>
    %broadcast_in_dim3A_513 = vector.shape_cast %reduce_sum3A_512 : vector<512xf32> to vector<1x512xf32>
    %dot_general3A_514 = arith.constant dense<0.000000e+00> : vector<256x512xf32>
    %dot_general3A_515 = tpu.matmul %get3A_3, %get3A_509, %dot_general3A_514 {dimension_numbers = #tpu.dot_dimension_numbers<[1], [0], [0], [1], [0, 0, 1, 1], [], []>, transpose_lhs_hint = false} : vector<256x96xf32>, vector<96x512xf32>, vector<256x512xf32> -> vector<256x512xf32>
    %add3A_516 = vector.broadcast %broadcast_in_dim3A : vector<256x1xf32> to vector<256x512xf32>
    %add3A_517 = vector.broadcast %broadcast_in_dim3A_513 : vector<1x512xf32> to vector<256x512xf32>
    %add3A_518 = arith.addf %add3A_516, %add3A_517 : vector<256x512xf32>
    %mul3A_519 = arith.constant 2.000000e+00 : f32
    %mul3A_520 = vector.broadcast %mul3A_519 : f32 to vector<256x512xf32>
    %mul3A_521 = arith.mulf %mul3A_520, %dot_general3A_515 : vector<256x512xf32>
    %sub3A_522 = arith.subf %add3A_518, %mul3A_521 : vector<256x512xf32>
    %max3A_523 = arith.constant 0.000000e+00 : f32
    %max3A_524 = vector.broadcast %max3A_523 : f32 to vector<256x512xf32>
    %max3A_525 = arith.maximumf %sub3A_522, %max3A_524 : vector<256x512xf32>
    %mul3A_526 = arith.constant 4096 : i32
    %mul3A_527 = arith.muli %arg0, %mul3A_526 : i32
    %add3A_528 = arith.constant 3584 : i32
    %add3A_529 = arith.addi %mul3A_527, %add3A_528 : i32
    %iota3A_530 = tpu.iota {dimensions = array<i32: 1>} : vector<256x512xi32>
    %add3A_531 = vector.broadcast %add3A_529 : i32 to vector<256x512xi32>
    %add3A_532 = arith.addi %add3A_531, %iota3A_530 : vector<256x512xi32>
    %sub3A_533 = vector.broadcast %get3A_7 : vector<256x1xi32> to vector<256x512xi32>
    %sub3A_534 = arith.subi %add3A_532, %sub3A_533 : vector<256x512xi32>
    %add3A_535 = arith.constant 2565 : i32
    %add3A_536 = vector.broadcast %add3A_535 : i32 to vector<256x512xi32>
    %add3A_537 = arith.addi %sub3A_534, %add3A_536 : vector<256x512xi32>
    %gt3A_538 = arith.constant 0 : i32
    %gt3A_539 = vector.broadcast %gt3A_538 : i32 to vector<256x512xi32>
    %gt3A_540 = arith.cmpi sgt, %add3A_532, %gt3A_539 : vector<256x512xi32>
    %ge3A_541 = arith.constant 0 : i32
    %ge3A_542 = vector.broadcast %ge3A_541 : i32 to vector<256x512xi32>
    %ge3A_543 = arith.cmpi sge, %add3A_537, %ge3A_542 : vector<256x512xi32>
    %and3A_544 = arith.andi %gt3A_540, %ge3A_543 : vector<256x512xi1>
    %lt3A_545 = arith.constant 5120 : i32
    %lt3A_546 = vector.broadcast %lt3A_545 : i32 to vector<256x512xi32>
    %lt3A_547 = arith.cmpi slt, %add3A_537, %lt3A_546 : vector<256x512xi32>
    %and3A_548 = arith.andi %and3A_544, %lt3A_547 : vector<256x512xi1>
    %and3A_549 = arith.constant 511 : i32
    %and3A_550 = vector.broadcast %and3A_549 : i32 to vector<256x512xi32>
    %and3A_551 = arith.andi %add3A_537, %and3A_550 : vector<256x512xi32>
    %lt3A_552 = arith.constant 10 : i32
    %lt3A_553 = vector.broadcast %lt3A_552 : i32 to vector<256x512xi32>
    %lt3A_554 = arith.cmpi slt, %and3A_551, %lt3A_553 : vector<256x512xi32>
    %and3A_555 = arith.andi %and3A_548, %lt3A_554 : vector<256x512xi1>
    %add3A_556 = arith.constant 1.000000e+09 : f32
    %add3A_557 = vector.broadcast %add3A_556 : f32 to vector<256x512xf32>
    %add3A_558 = arith.addf %max3A_525, %add3A_557 : vector<256x512xf32>
    %select_n3A_559 = arith.select %and3A_555, %add3A_558, %max3A_525 : vector<256x512xi1>, vector<256x512xf32>
    %lt3A_560 = vector.broadcast %get3A_10 : vector<256x1xf32> to vector<256x512xf32>
    %lt3A_561 = arith.cmpf olt, %select_n3A_559, %lt3A_560 : vector<256x512xf32>
    %jit3A_562 = arith.constant 0x7F800000 : f32
    %broadcast_in_dim3A_563 = vector.broadcast %jit3A_562 : f32 to vector<256x512xf32>
    %select_n3A_564 = arith.select %lt3A_561, %select_n3A_559, %broadcast_in_dim3A_563 : vector<256x512xi1>, vector<256x512xf32>
    %swap3A_565 = arith.constant 0 : index
    %swap3A_566 = arith.constant 3584 : index
    %swap3A_567 = vector.load %arg6[%swap3A_565, %swap3A_566] : memref<256x4096xf32, #tpu.memory_space<vmem>>, vector<256x512xf32>
    tpu.vector_store %arg6[%swap3A_565, %swap3A_566], %select_n3A_564 {strides = array<i32>} : memref<256x4096xf32, #tpu.memory_space<vmem>>, vector<256x512xf32>,
    %jit3A_568 = arith.constant 1.000000e+00 : f32
    %jit3A_569 = arith.constant 0.000000e+00 : f32
    %broadcast_in_dim3A_570 = vector.broadcast %jit3A_568 : f32 to vector<256x512xf32>
    %broadcast_in_dim3A_571 = vector.broadcast %jit3A_569 : f32 to vector<256x512xf32>
    %select_n3A_572 = arith.select %lt3A_561, %broadcast_in_dim3A_570, %broadcast_in_dim3A_571 : vector<256x512xi1>, vector<256x512xf32>
    %reduce_sum3A_573 = arith.constant dense<0.000000e+00> : vector<256xf32>
    %reduce_sum3A_574 = vector.multi_reduction <add>, %select_n3A_572, %reduce_sum3A_573 [1] : vector<256x512xf32> to vector<256xf32>
    %broadcast_in_dim3A_575 = vector.shape_cast %reduce_sum3A_574 : vector<256xf32> to vector<256x1xf32>
    %add3A_576 = arith.addf %add3A_504, %broadcast_in_dim3A_575 : vector<256x1xf32>
    %iota3A_577 = tpu.iota {dimensions = array<i32: 1>} : vector<256x4096xi32>
    %reduce_max3A = vector.shape_cast %add3A_576 : vector<256x1xf32> to vector<1x256x1xf32>
    %reduce_max3A_578 = arith.constant dense<0xFF800000> : vector<1xf32>
    %reduce_max3A_579 = vector.multi_reduction <maximumf>, %reduce_max3A, %reduce_max3A_578 [1, 2] : vector<1x256x1xf32> to vector<1xf32>
    %reduce_max3A_580 = vector.shape_cast %reduce_max3A_579 : vector<1xf32> to vector<1x1x1xf32>
    %reduce_max3A_581 = vector.extract %reduce_max3A_580[0, 0, 0] : f32 from vector<1x1x1xf32>
    %min3A = arith.constant 8.000000e+00 : f32
    %min3A_582 = arith.minimumf %reduce_max3A_581, %min3A : f32
    %gt3A_583 = arith.constant 0.000000e+00 : f32
    %gt3A_584 = arith.cmpf ogt, %min3A_582, %gt3A_583 : f32
    %convert_element_type3A_585 = arith.extui %gt3A_584 : i1 to i32
    %cond3A_586 = arith.constant 0 : i32
    %cond3A_587 = arith.cmpi ne, %convert_element_type3A_585, %cond3A_586 : i32
    scf.if %cond3A_587 {
      %get3A_628 = arith.constant 0 : index
      %get3A_629 = arith.constant 0 : index
      %get3A_630 = vector.load %arg6[%get3A_628, %get3A_629] : memref<256x4096xf32, #tpu.memory_space<vmem>>, vector<256x4096xf32>
      %reduce_min3A = arith.constant dense<0x7F800000> : vector<256xf32>
      %reduce_min3A_631 = vector.multi_reduction <minimumf>, %get3A_630, %reduce_min3A [1] : vector<256x4096xf32> to vector<256xf32>
      %broadcast_in_dim3A_632 = vector.shape_cast %reduce_min3A_631 : vector<256xf32> to vector<256x1xf32>
      %get3A_633 = arith.constant 0 : index
      %get3A_634 = arith.constant 0 : index
      %get3A_635 = vector.load %arg5[%get3A_633, %get3A_634] : memref<256x8xf32, #tpu.memory_space<vmem>>, vector<256x8xf32>
      %broadcast_in_dim3A_636 = arith.constant 0xFF800000 : f32
      %broadcast_in_dim3A_637 = vector.broadcast %broadcast_in_dim3A_636 : f32 to vector<256x1xf32>
      %slice3A = vector.extract_strided_slice %get3A_635 {offsets = [0, 0], sizes = [256, 7], strides = [1, 1]} : vector<256x8xf32> to vector<256x7xf32>
      %concatenate3A = tpu.concatenate %broadcast_in_dim3A_637, %slice3A in 1 : vector<256x1xf32>, vector<256x7xf32> -> vector<256x8xf32>
      %max3A_638 = vector.broadcast %broadcast_in_dim3A_632 : vector<256x1xf32> to vector<256x8xf32>
      %max3A_639 = arith.maximumf %concatenate3A, %max3A_638 : vector<256x8xf32>
      %min3A_640 = arith.minimumf %max3A_639, %get3A_635 : vector<256x8xf32>
      %swap3A_641 = arith.constant 0 : index
      %swap3A_642 = arith.constant 0 : index
      %swap3A_643 = vector.load %arg5[%swap3A_641, %swap3A_642] : memref<256x8xf32, #tpu.memory_space<vmem>>, vector<256x8xf32>
      tpu.vector_store %arg5[%swap3A_641, %swap3A_642], %min3A_640 {strides = array<i32>} : memref<256x8xf32, #tpu.memory_space<vmem>>, vector<256x8xf32>,
      %eq3A_644 = vector.broadcast %broadcast_in_dim3A_632 : vector<256x1xf32> to vector<256x4096xf32>
      %eq3A_645 = arith.cmpf oeq, %get3A_630, %eq3A_644 : vector<256x4096xf32>
      %jit3A_646 = arith.constant 4096 : i32
      %broadcast_in_dim3A_647 = vector.broadcast %jit3A_646 : i32 to vector<256x4096xi32>
      %select_n3A_648 = arith.select %eq3A_645, %iota3A_577, %broadcast_in_dim3A_647 : vector<256x4096xi1>, vector<256x4096xi32>
      %reduce_min3A_649 = arith.constant dense<2147483647> : vector<256xi32>
      %reduce_min3A_650 = vector.multi_reduction <minsi>, %select_n3A_648, %reduce_min3A_649 [1] : vector<256x4096xi32> to vector<256xi32>
      %broadcast_in_dim3A_651 = vector.shape_cast %reduce_min3A_650 : vector<256xi32> to vector<256x1xi32>
      %eq3A_652 = vector.broadcast %broadcast_in_dim3A_651 : vector<256x1xi32> to vector<256x4096xi32>
      %eq3A_653 = arith.cmpi eq, %iota3A_577, %eq3A_652 : vector<256x4096xi32>
      %jit3A_654 = arith.constant 0x7F800000 : f32
      %broadcast_in_dim3A_655 = vector.broadcast %jit3A_654 : f32 to vector<256x4096xf32>
      %select_n3A_656 = arith.select %eq3A_653, %broadcast_in_dim3A_655, %get3A_630 : vector<256x4096xi1>, vector<256x4096xf32>
      %swap3A_657 = arith.constant 0 : index
      %swap3A_658 = arith.constant 0 : index
      %swap3A_659 = vector.load %arg6[%swap3A_657, %swap3A_658] : memref<256x4096xf32, #tpu.memory_space<vmem>>, vector<256x4096xf32>
      tpu.vector_store %arg6[%swap3A_657, %swap3A_658], %select_n3A_656 {strides = array<i32>} : memref<256x4096xf32, #tpu.memory_space<vmem>>, vector<256x4096xf32>,
    } else {
    }
    %gt3A_588 = arith.constant 1.000000e+00 : f32
    %gt3A_589 = arith.cmpf ogt, %min3A_582, %gt3A_588 : f32
    %convert_element_type3A_590 = arith.extui %gt3A_589 : i1 to i32
    %cond3A_591 = arith.constant 0 : i32
    %cond3A_592 = arith.cmpi ne, %convert_element_type3A_590, %cond3A_591 : i32
    scf.if %cond3A_592 {
      %get3A_628 = arith.constant 0 : index
      %get3A_629 = arith.constant 0 : index
      %get3A_630 = vector.load %arg6[%get3A_628, %get3A_629] : memref<256x4096xf32, #tpu.memory_space<vmem>>, vector<256x4096xf32>
      %reduce_min3A = arith.constant dense<0x7F800000> : vector<256xf32>
      %reduce_min3A_631 = vector.multi_reduction <minimumf>, %get3A_630, %reduce_min3A [1] : vector<256x4096xf32> to vector<256xf32>
      %broadcast_in_dim3A_632 = vector.shape_cast %reduce_min3A_631 : vector<256xf32> to vector<256x1xf32>
      %get3A_633 = arith.constant 0 : index
      %get3A_634 = arith.constant 0 : index
      %get3A_635 = vector.load %arg5[%get3A_633, %get3A_634] : memref<256x8xf32, #tpu.memory_space<vmem>>, vector<256x8xf32>
      %broadcast_in_dim3A_636 = arith.constant 0xFF800000 : f32
      %broadcast_in_dim3A_637 = vector.broadcast %broadcast_in_dim3A_636 : f32 to vector<256x1xf32>
      %slice3A = vector.extract_strided_slice %get3A_635 {offsets = [0, 0], sizes = [256, 7], strides = [1, 1]} : vector<256x8xf32> to vector<256x7xf32>
      %concatenate3A = tpu.concatenate %broadcast_in_dim3A_637, %slice3A in 1 : vector<256x1xf32>, vector<256x7xf32> -> vector<256x8xf32>
      %max3A_638 = vector.broadcast %broadcast_in_dim3A_632 : vector<256x1xf32> to vector<256x8xf32>
      %max3A_639 = arith.maximumf %concatenate3A, %max3A_638 : vector<256x8xf32>
      %min3A_640 = arith.minimumf %max3A_639, %get3A_635 : vector<256x8xf32>
      %swap3A_641 = arith.constant 0 : index
      %swap3A_642 = arith.constant 0 : index
      %swap3A_643 = vector.load %arg5[%swap3A_641, %swap3A_642] : memref<256x8xf32, #tpu.memory_space<vmem>>, vector<256x8xf32>
      tpu.vector_store %arg5[%swap3A_641, %swap3A_642], %min3A_640 {strides = array<i32>} : memref<256x8xf32, #tpu.memory_space<vmem>>, vector<256x8xf32>,
      %eq3A_644 = vector.broadcast %broadcast_in_dim3A_632 : vector<256x1xf32> to vector<256x4096xf32>
      %eq3A_645 = arith.cmpf oeq, %get3A_630, %eq3A_644 : vector<256x4096xf32>
      %jit3A_646 = arith.constant 4096 : i32
      %broadcast_in_dim3A_647 = vector.broadcast %jit3A_646 : i32 to vector<256x4096xi32>
      %select_n3A_648 = arith.select %eq3A_645, %iota3A_577, %broadcast_in_dim3A_647 : vector<256x4096xi1>, vector<256x4096xi32>
      %reduce_min3A_649 = arith.constant dense<2147483647> : vector<256xi32>
      %reduce_min3A_650 = vector.multi_reduction <minsi>, %select_n3A_648, %reduce_min3A_649 [1] : vector<256x4096xi32> to vector<256xi32>
      %broadcast_in_dim3A_651 = vector.shape_cast %reduce_min3A_650 : vector<256xi32> to vector<256x1xi32>
      %eq3A_652 = vector.broadcast %broadcast_in_dim3A_651 : vector<256x1xi32> to vector<256x4096xi32>
      %eq3A_653 = arith.cmpi eq, %iota3A_577, %eq3A_652 : vector<256x4096xi32>
      %jit3A_654 = arith.constant 0x7F800000 : f32
      %broadcast_in_dim3A_655 = vector.broadcast %jit3A_654 : f32 to vector<256x4096xf32>
      %select_n3A_656 = arith.select %eq3A_653, %broadcast_in_dim3A_655, %get3A_630 : vector<256x4096xi1>, vector<256x4096xf32>
      %swap3A_657 = arith.constant 0 : index
      %swap3A_658 = arith.constant 0 : index
      %swap3A_659 = vector.load %arg6[%swap3A_657, %swap3A_658] : memref<256x4096xf32, #tpu.memory_space<vmem>>, vector<256x4096xf32>
      tpu.vector_store %arg6[%swap3A_657, %swap3A_658], %select_n3A_656 {strides = array<i32>} : memref<256x4096xf32, #tpu.memory_space<vmem>>, vector<256x4096xf32>,
    } else {
    }
    %gt3A_593 = arith.constant 2.000000e+00 : f32
    %gt3A_594 = arith.cmpf ogt, %min3A_582, %gt3A_593 : f32
    %convert_element_type3A_595 = arith.extui %gt3A_594 : i1 to i32
    %cond3A_596 = arith.constant 0 : i32
    %cond3A_597 = arith.cmpi ne, %convert_element_type3A_595, %cond3A_596 : i32
    scf.if %cond3A_597 {
      %get3A_628 = arith.constant 0 : index
      %get3A_629 = arith.constant 0 : index
      %get3A_630 = vector.load %arg6[%get3A_628, %get3A_629] : memref<256x4096xf32, #tpu.memory_space<vmem>>, vector<256x4096xf32>
      %reduce_min3A = arith.constant dense<0x7F800000> : vector<256xf32>
      %reduce_min3A_631 = vector.multi_reduction <minimumf>, %get3A_630, %reduce_min3A [1] : vector<256x4096xf32> to vector<256xf32>
      %broadcast_in_dim3A_632 = vector.shape_cast %reduce_min3A_631 : vector<256xf32> to vector<256x1xf32>
      %get3A_633 = arith.constant 0 : index
      %get3A_634 = arith.constant 0 : index
      %get3A_635 = vector.load %arg5[%get3A_633, %get3A_634] : memref<256x8xf32, #tpu.memory_space<vmem>>, vector<256x8xf32>
      %broadcast_in_dim3A_636 = arith.constant 0xFF800000 : f32
      %broadcast_in_dim3A_637 = vector.broadcast %broadcast_in_dim3A_636 : f32 to vector<256x1xf32>
      %slice3A = vector.extract_strided_slice %get3A_635 {offsets = [0, 0], sizes = [256, 7], strides = [1, 1]} : vector<256x8xf32> to vector<256x7xf32>
      %concatenate3A = tpu.concatenate %broadcast_in_dim3A_637, %slice3A in 1 : vector<256x1xf32>, vector<256x7xf32> -> vector<256x8xf32>
      %max3A_638 = vector.broadcast %broadcast_in_dim3A_632 : vector<256x1xf32> to vector<256x8xf32>
      %max3A_639 = arith.maximumf %concatenate3A, %max3A_638 : vector<256x8xf32>
      %min3A_640 = arith.minimumf %max3A_639, %get3A_635 : vector<256x8xf32>
      %swap3A_641 = arith.constant 0 : index
      %swap3A_642 = arith.constant 0 : index
      %swap3A_643 = vector.load %arg5[%swap3A_641, %swap3A_642] : memref<256x8xf32, #tpu.memory_space<vmem>>, vector<256x8xf32>
      tpu.vector_store %arg5[%swap3A_641, %swap3A_642], %min3A_640 {strides = array<i32>} : memref<256x8xf32, #tpu.memory_space<vmem>>, vector<256x8xf32>,
      %eq3A_644 = vector.broadcast %broadcast_in_dim3A_632 : vector<256x1xf32> to vector<256x4096xf32>
      %eq3A_645 = arith.cmpf oeq, %get3A_630, %eq3A_644 : vector<256x4096xf32>
      %jit3A_646 = arith.constant 4096 : i32
      %broadcast_in_dim3A_647 = vector.broadcast %jit3A_646 : i32 to vector<256x4096xi32>
      %select_n3A_648 = arith.select %eq3A_645, %iota3A_577, %broadcast_in_dim3A_647 : vector<256x4096xi1>, vector<256x4096xi32>
      %reduce_min3A_649 = arith.constant dense<2147483647> : vector<256xi32>
      %reduce_min3A_650 = vector.multi_reduction <minsi>, %select_n3A_648, %reduce_min3A_649 [1] : vector<256x4096xi32> to vector<256xi32>
      %broadcast_in_dim3A_651 = vector.shape_cast %reduce_min3A_650 : vector<256xi32> to vector<256x1xi32>
      %eq3A_652 = vector.broadcast %broadcast_in_dim3A_651 : vector<256x1xi32> to vector<256x4096xi32>
      %eq3A_653 = arith.cmpi eq, %iota3A_577, %eq3A_652 : vector<256x4096xi32>
      %jit3A_654 = arith.constant 0x7F800000 : f32
      %broadcast_in_dim3A_655 = vector.broadcast %jit3A_654 : f32 to vector<256x4096xf32>
      %select_n3A_656 = arith.select %eq3A_653, %broadcast_in_dim3A_655, %get3A_630 : vector<256x4096xi1>, vector<256x4096xf32>
      %swap3A_657 = arith.constant 0 : index
      %swap3A_658 = arith.constant 0 : index
      %swap3A_659 = vector.load %arg6[%swap3A_657, %swap3A_658] : memref<256x4096xf32, #tpu.memory_space<vmem>>, vector<256x4096xf32>
      tpu.vector_store %arg6[%swap3A_657, %swap3A_658], %select_n3A_656 {strides = array<i32>} : memref<256x4096xf32, #tpu.memory_space<vmem>>, vector<256x4096xf32>,
    } else {
    }
    %gt3A_598 = arith.constant 3.000000e+00 : f32
    %gt3A_599 = arith.cmpf ogt, %min3A_582, %gt3A_598 : f32
    %convert_element_type3A_600 = arith.extui %gt3A_599 : i1 to i32
    %cond3A_601 = arith.constant 0 : i32
    %cond3A_602 = arith.cmpi ne, %convert_element_type3A_600, %cond3A_601 : i32
    scf.if %cond3A_602 {
      %get3A_628 = arith.constant 0 : index
      %get3A_629 = arith.constant 0 : index
      %get3A_630 = vector.load %arg6[%get3A_628, %get3A_629] : memref<256x4096xf32, #tpu.memory_space<vmem>>, vector<256x4096xf32>
      %reduce_min3A = arith.constant dense<0x7F800000> : vector<256xf32>
      %reduce_min3A_631 = vector.multi_reduction <minimumf>, %get3A_630, %reduce_min3A [1] : vector<256x4096xf32> to vector<256xf32>
      %broadcast_in_dim3A_632 = vector.shape_cast %reduce_min3A_631 : vector<256xf32> to vector<256x1xf32>
      %get3A_633 = arith.constant 0 : index
      %get3A_634 = arith.constant 0 : index
      %get3A_635 = vector.load %arg5[%get3A_633, %get3A_634] : memref<256x8xf32, #tpu.memory_space<vmem>>, vector<256x8xf32>
      %broadcast_in_dim3A_636 = arith.constant 0xFF800000 : f32
      %broadcast_in_dim3A_637 = vector.broadcast %broadcast_in_dim3A_636 : f32 to vector<256x1xf32>
      %slice3A = vector.extract_strided_slice %get3A_635 {offsets = [0, 0], sizes = [256, 7], strides = [1, 1]} : vector<256x8xf32> to vector<256x7xf32>
      %concatenate3A = tpu.concatenate %broadcast_in_dim3A_637, %slice3A in 1 : vector<256x1xf32>, vector<256x7xf32> -> vector<256x8xf32>
      %max3A_638 = vector.broadcast %broadcast_in_dim3A_632 : vector<256x1xf32> to vector<256x8xf32>
      %max3A_639 = arith.maximumf %concatenate3A, %max3A_638 : vector<256x8xf32>
      %min3A_640 = arith.minimumf %max3A_639, %get3A_635 : vector<256x8xf32>
      %swap3A_641 = arith.constant 0 : index
      %swap3A_642 = arith.constant 0 : index
      %swap3A_643 = vector.load %arg5[%swap3A_641, %swap3A_642] : memref<256x8xf32, #tpu.memory_space<vmem>>, vector<256x8xf32>
      tpu.vector_store %arg5[%swap3A_641, %swap3A_642], %min3A_640 {strides = array<i32>} : memref<256x8xf32, #tpu.memory_space<vmem>>, vector<256x8xf32>,
      %eq3A_644 = vector.broadcast %broadcast_in_dim3A_632 : vector<256x1xf32> to vector<256x4096xf32>
      %eq3A_645 = arith.cmpf oeq, %get3A_630, %eq3A_644 : vector<256x4096xf32>
      %jit3A_646 = arith.constant 4096 : i32
      %broadcast_in_dim3A_647 = vector.broadcast %jit3A_646 : i32 to vector<256x4096xi32>
      %select_n3A_648 = arith.select %eq3A_645, %iota3A_577, %broadcast_in_dim3A_647 : vector<256x4096xi1>, vector<256x4096xi32>
      %reduce_min3A_649 = arith.constant dense<2147483647> : vector<256xi32>
      %reduce_min3A_650 = vector.multi_reduction <minsi>, %select_n3A_648, %reduce_min3A_649 [1] : vector<256x4096xi32> to vector<256xi32>
      %broadcast_in_dim3A_651 = vector.shape_cast %reduce_min3A_650 : vector<256xi32> to vector<256x1xi32>
      %eq3A_652 = vector.broadcast %broadcast_in_dim3A_651 : vector<256x1xi32> to vector<256x4096xi32>
      %eq3A_653 = arith.cmpi eq, %iota3A_577, %eq3A_652 : vector<256x4096xi32>
      %jit3A_654 = arith.constant 0x7F800000 : f32
      %broadcast_in_dim3A_655 = vector.broadcast %jit3A_654 : f32 to vector<256x4096xf32>
      %select_n3A_656 = arith.select %eq3A_653, %broadcast_in_dim3A_655, %get3A_630 : vector<256x4096xi1>, vector<256x4096xf32>
      %swap3A_657 = arith.constant 0 : index
      %swap3A_658 = arith.constant 0 : index
      %swap3A_659 = vector.load %arg6[%swap3A_657, %swap3A_658] : memref<256x4096xf32, #tpu.memory_space<vmem>>, vector<256x4096xf32>
      tpu.vector_store %arg6[%swap3A_657, %swap3A_658], %select_n3A_656 {strides = array<i32>} : memref<256x4096xf32, #tpu.memory_space<vmem>>, vector<256x4096xf32>,
    } else {
    }
    %gt3A_603 = arith.constant 4.000000e+00 : f32
    %gt3A_604 = arith.cmpf ogt, %min3A_582, %gt3A_603 : f32
    %convert_element_type3A_605 = arith.extui %gt3A_604 : i1 to i32
    %cond3A_606 = arith.constant 0 : i32
    %cond3A_607 = arith.cmpi ne, %convert_element_type3A_605, %cond3A_606 : i32
    scf.if %cond3A_607 {
      %get3A_628 = arith.constant 0 : index
      %get3A_629 = arith.constant 0 : index
      %get3A_630 = vector.load %arg6[%get3A_628, %get3A_629] : memref<256x4096xf32, #tpu.memory_space<vmem>>, vector<256x4096xf32>
      %reduce_min3A = arith.constant dense<0x7F800000> : vector<256xf32>
      %reduce_min3A_631 = vector.multi_reduction <minimumf>, %get3A_630, %reduce_min3A [1] : vector<256x4096xf32> to vector<256xf32>
      %broadcast_in_dim3A_632 = vector.shape_cast %reduce_min3A_631 : vector<256xf32> to vector<256x1xf32>
      %get3A_633 = arith.constant 0 : index
      %get3A_634 = arith.constant 0 : index
      %get3A_635 = vector.load %arg5[%get3A_633, %get3A_634] : memref<256x8xf32, #tpu.memory_space<vmem>>, vector<256x8xf32>
      %broadcast_in_dim3A_636 = arith.constant 0xFF800000 : f32
      %broadcast_in_dim3A_637 = vector.broadcast %broadcast_in_dim3A_636 : f32 to vector<256x1xf32>
      %slice3A = vector.extract_strided_slice %get3A_635 {offsets = [0, 0], sizes = [256, 7], strides = [1, 1]} : vector<256x8xf32> to vector<256x7xf32>
      %concatenate3A = tpu.concatenate %broadcast_in_dim3A_637, %slice3A in 1 : vector<256x1xf32>, vector<256x7xf32> -> vector<256x8xf32>
      %max3A_638 = vector.broadcast %broadcast_in_dim3A_632 : vector<256x1xf32> to vector<256x8xf32>
      %max3A_639 = arith.maximumf %concatenate3A, %max3A_638 : vector<256x8xf32>
      %min3A_640 = arith.minimumf %max3A_639, %get3A_635 : vector<256x8xf32>
      %swap3A_641 = arith.constant 0 : index
      %swap3A_642 = arith.constant 0 : index
      %swap3A_643 = vector.load %arg5[%swap3A_641, %swap3A_642] : memref<256x8xf32, #tpu.memory_space<vmem>>, vector<256x8xf32>
      tpu.vector_store %arg5[%swap3A_641, %swap3A_642], %min3A_640 {strides = array<i32>} : memref<256x8xf32, #tpu.memory_space<vmem>>, vector<256x8xf32>,
      %eq3A_644 = vector.broadcast %broadcast_in_dim3A_632 : vector<256x1xf32> to vector<256x4096xf32>
      %eq3A_645 = arith.cmpf oeq, %get3A_630, %eq3A_644 : vector<256x4096xf32>
      %jit3A_646 = arith.constant 4096 : i32
      %broadcast_in_dim3A_647 = vector.broadcast %jit3A_646 : i32 to vector<256x4096xi32>
      %select_n3A_648 = arith.select %eq3A_645, %iota3A_577, %broadcast_in_dim3A_647 : vector<256x4096xi1>, vector<256x4096xi32>
      %reduce_min3A_649 = arith.constant dense<2147483647> : vector<256xi32>
      %reduce_min3A_650 = vector.multi_reduction <minsi>, %select_n3A_648, %reduce_min3A_649 [1] : vector<256x4096xi32> to vector<256xi32>
      %broadcast_in_dim3A_651 = vector.shape_cast %reduce_min3A_650 : vector<256xi32> to vector<256x1xi32>
      %eq3A_652 = vector.broadcast %broadcast_in_dim3A_651 : vector<256x1xi32> to vector<256x4096xi32>
      %eq3A_653 = arith.cmpi eq, %iota3A_577, %eq3A_652 : vector<256x4096xi32>
      %jit3A_654 = arith.constant 0x7F800000 : f32
      %broadcast_in_dim3A_655 = vector.broadcast %jit3A_654 : f32 to vector<256x4096xf32>
      %select_n3A_656 = arith.select %eq3A_653, %broadcast_in_dim3A_655, %get3A_630 : vector<256x4096xi1>, vector<256x4096xf32>
      %swap3A_657 = arith.constant 0 : index
      %swap3A_658 = arith.constant 0 : index
      %swap3A_659 = vector.load %arg6[%swap3A_657, %swap3A_658] : memref<256x4096xf32, #tpu.memory_space<vmem>>, vector<256x4096xf32>
      tpu.vector_store %arg6[%swap3A_657, %swap3A_658], %select_n3A_656 {strides = array<i32>} : memref<256x4096xf32, #tpu.memory_space<vmem>>, vector<256x4096xf32>,
    } else {
    }
    %gt3A_608 = arith.constant 5.000000e+00 : f32
    %gt3A_609 = arith.cmpf ogt, %min3A_582, %gt3A_608 : f32
    %convert_element_type3A_610 = arith.extui %gt3A_609 : i1 to i32
    %cond3A_611 = arith.constant 0 : i32
    %cond3A_612 = arith.cmpi ne, %convert_element_type3A_610, %cond3A_611 : i32
    scf.if %cond3A_612 {
      %get3A_628 = arith.constant 0 : index
      %get3A_629 = arith.constant 0 : index
      %get3A_630 = vector.load %arg6[%get3A_628, %get3A_629] : memref<256x4096xf32, #tpu.memory_space<vmem>>, vector<256x4096xf32>
      %reduce_min3A = arith.constant dense<0x7F800000> : vector<256xf32>
      %reduce_min3A_631 = vector.multi_reduction <minimumf>, %get3A_630, %reduce_min3A [1] : vector<256x4096xf32> to vector<256xf32>
      %broadcast_in_dim3A_632 = vector.shape_cast %reduce_min3A_631 : vector<256xf32> to vector<256x1xf32>
      %get3A_633 = arith.constant 0 : index
      %get3A_634 = arith.constant 0 : index
      %get3A_635 = vector.load %arg5[%get3A_633, %get3A_634] : memref<256x8xf32, #tpu.memory_space<vmem>>, vector<256x8xf32>
      %broadcast_in_dim3A_636 = arith.constant 0xFF800000 : f32
      %broadcast_in_dim3A_637 = vector.broadcast %broadcast_in_dim3A_636 : f32 to vector<256x1xf32>
      %slice3A = vector.extract_strided_slice %get3A_635 {offsets = [0, 0], sizes = [256, 7], strides = [1, 1]} : vector<256x8xf32> to vector<256x7xf32>
      %concatenate3A = tpu.concatenate %broadcast_in_dim3A_637, %slice3A in 1 : vector<256x1xf32>, vector<256x7xf32> -> vector<256x8xf32>
      %max3A_638 = vector.broadcast %broadcast_in_dim3A_632 : vector<256x1xf32> to vector<256x8xf32>
      %max3A_639 = arith.maximumf %concatenate3A, %max3A_638 : vector<256x8xf32>
      %min3A_640 = arith.minimumf %max3A_639, %get3A_635 : vector<256x8xf32>
      %swap3A_641 = arith.constant 0 : index
      %swap3A_642 = arith.constant 0 : index
      %swap3A_643 = vector.load %arg5[%swap3A_641, %swap3A_642] : memref<256x8xf32, #tpu.memory_space<vmem>>, vector<256x8xf32>
      tpu.vector_store %arg5[%swap3A_641, %swap3A_642], %min3A_640 {strides = array<i32>} : memref<256x8xf32, #tpu.memory_space<vmem>>, vector<256x8xf32>,
      %eq3A_644 = vector.broadcast %broadcast_in_dim3A_632 : vector<256x1xf32> to vector<256x4096xf32>
      %eq3A_645 = arith.cmpf oeq, %get3A_630, %eq3A_644 : vector<256x4096xf32>
      %jit3A_646 = arith.constant 4096 : i32
      %broadcast_in_dim3A_647 = vector.broadcast %jit3A_646 : i32 to vector<256x4096xi32>
      %select_n3A_648 = arith.select %eq3A_645, %iota3A_577, %broadcast_in_dim3A_647 : vector<256x4096xi1>, vector<256x4096xi32>
      %reduce_min3A_649 = arith.constant dense<2147483647> : vector<256xi32>
      %reduce_min3A_650 = vector.multi_reduction <minsi>, %select_n3A_648, %reduce_min3A_649 [1] : vector<256x4096xi32> to vector<256xi32>
      %broadcast_in_dim3A_651 = vector.shape_cast %reduce_min3A_650 : vector<256xi32> to vector<256x1xi32>
      %eq3A_652 = vector.broadcast %broadcast_in_dim3A_651 : vector<256x1xi32> to vector<256x4096xi32>
      %eq3A_653 = arith.cmpi eq, %iota3A_577, %eq3A_652 : vector<256x4096xi32>
      %jit3A_654 = arith.constant 0x7F800000 : f32
      %broadcast_in_dim3A_655 = vector.broadcast %jit3A_654 : f32 to vector<256x4096xf32>
      %select_n3A_656 = arith.select %eq3A_653, %broadcast_in_dim3A_655, %get3A_630 : vector<256x4096xi1>, vector<256x4096xf32>
      %swap3A_657 = arith.constant 0 : index
      %swap3A_658 = arith.constant 0 : index
      %swap3A_659 = vector.load %arg6[%swap3A_657, %swap3A_658] : memref<256x4096xf32, #tpu.memory_space<vmem>>, vector<256x4096xf32>
      tpu.vector_store %arg6[%swap3A_657, %swap3A_658], %select_n3A_656 {strides = array<i32>} : memref<256x4096xf32, #tpu.memory_space<vmem>>, vector<256x4096xf32>,
    } else {
    }
    %gt3A_613 = arith.constant 6.000000e+00 : f32
    %gt3A_614 = arith.cmpf ogt, %min3A_582, %gt3A_613 : f32
    %convert_element_type3A_615 = arith.extui %gt3A_614 : i1 to i32
    %cond3A_616 = arith.constant 0 : i32
    %cond3A_617 = arith.cmpi ne, %convert_element_type3A_615, %cond3A_616 : i32
    scf.if %cond3A_617 {
      %get3A_628 = arith.constant 0 : index
      %get3A_629 = arith.constant 0 : index
      %get3A_630 = vector.load %arg6[%get3A_628, %get3A_629] : memref<256x4096xf32, #tpu.memory_space<vmem>>, vector<256x4096xf32>
      %reduce_min3A = arith.constant dense<0x7F800000> : vector<256xf32>
      %reduce_min3A_631 = vector.multi_reduction <minimumf>, %get3A_630, %reduce_min3A [1] : vector<256x4096xf32> to vector<256xf32>
      %broadcast_in_dim3A_632 = vector.shape_cast %reduce_min3A_631 : vector<256xf32> to vector<256x1xf32>
      %get3A_633 = arith.constant 0 : index
      %get3A_634 = arith.constant 0 : index
      %get3A_635 = vector.load %arg5[%get3A_633, %get3A_634] : memref<256x8xf32, #tpu.memory_space<vmem>>, vector<256x8xf32>
      %broadcast_in_dim3A_636 = arith.constant 0xFF800000 : f32
      %broadcast_in_dim3A_637 = vector.broadcast %broadcast_in_dim3A_636 : f32 to vector<256x1xf32>
      %slice3A = vector.extract_strided_slice %get3A_635 {offsets = [0, 0], sizes = [256, 7], strides = [1, 1]} : vector<256x8xf32> to vector<256x7xf32>
      %concatenate3A = tpu.concatenate %broadcast_in_dim3A_637, %slice3A in 1 : vector<256x1xf32>, vector<256x7xf32> -> vector<256x8xf32>
      %max3A_638 = vector.broadcast %broadcast_in_dim3A_632 : vector<256x1xf32> to vector<256x8xf32>
      %max3A_639 = arith.maximumf %concatenate3A, %max3A_638 : vector<256x8xf32>
      %min3A_640 = arith.minimumf %max3A_639, %get3A_635 : vector<256x8xf32>
      %swap3A_641 = arith.constant 0 : index
      %swap3A_642 = arith.constant 0 : index
      %swap3A_643 = vector.load %arg5[%swap3A_641, %swap3A_642] : memref<256x8xf32, #tpu.memory_space<vmem>>, vector<256x8xf32>
      tpu.vector_store %arg5[%swap3A_641, %swap3A_642], %min3A_640 {strides = array<i32>} : memref<256x8xf32, #tpu.memory_space<vmem>>, vector<256x8xf32>,
      %eq3A_644 = vector.broadcast %broadcast_in_dim3A_632 : vector<256x1xf32> to vector<256x4096xf32>
      %eq3A_645 = arith.cmpf oeq, %get3A_630, %eq3A_644 : vector<256x4096xf32>
      %jit3A_646 = arith.constant 4096 : i32
      %broadcast_in_dim3A_647 = vector.broadcast %jit3A_646 : i32 to vector<256x4096xi32>
      %select_n3A_648 = arith.select %eq3A_645, %iota3A_577, %broadcast_in_dim3A_647 : vector<256x4096xi1>, vector<256x4096xi32>
      %reduce_min3A_649 = arith.constant dense<2147483647> : vector<256xi32>
      %reduce_min3A_650 = vector.multi_reduction <minsi>, %select_n3A_648, %reduce_min3A_649 [1] : vector<256x4096xi32> to vector<256xi32>
      %broadcast_in_dim3A_651 = vector.shape_cast %reduce_min3A_650 : vector<256xi32> to vector<256x1xi32>
      %eq3A_652 = vector.broadcast %broadcast_in_dim3A_651 : vector<256x1xi32> to vector<256x4096xi32>
      %eq3A_653 = arith.cmpi eq, %iota3A_577, %eq3A_652 : vector<256x4096xi32>
      %jit3A_654 = arith.constant 0x7F800000 : f32
      %broadcast_in_dim3A_655 = vector.broadcast %jit3A_654 : f32 to vector<256x4096xf32>
      %select_n3A_656 = arith.select %eq3A_653, %broadcast_in_dim3A_655, %get3A_630 : vector<256x4096xi1>, vector<256x4096xf32>
      %swap3A_657 = arith.constant 0 : index
      %swap3A_658 = arith.constant 0 : index
      %swap3A_659 = vector.load %arg6[%swap3A_657, %swap3A_658] : memref<256x4096xf32, #tpu.memory_space<vmem>>, vector<256x4096xf32>
      tpu.vector_store %arg6[%swap3A_657, %swap3A_658], %select_n3A_656 {strides = array<i32>} : memref<256x4096xf32, #tpu.memory_space<vmem>>, vector<256x4096xf32>,
    } else {
    }
    %gt3A_618 = arith.constant 7.000000e+00 : f32
    %gt3A_619 = arith.cmpf ogt, %min3A_582, %gt3A_618 : f32
    %convert_element_type3A_620 = arith.extui %gt3A_619 : i1 to i32
    %cond3A_621 = arith.constant 0 : i32
    %cond3A_622 = arith.cmpi ne, %convert_element_type3A_620, %cond3A_621 : i32
    scf.if %cond3A_622 {
      %get3A_628 = arith.constant 0 : index
      %get3A_629 = arith.constant 0 : index
      %get3A_630 = vector.load %arg6[%get3A_628, %get3A_629] : memref<256x4096xf32, #tpu.memory_space<vmem>>, vector<256x4096xf32>
      %reduce_min3A = arith.constant dense<0x7F800000> : vector<256xf32>
      %reduce_min3A_631 = vector.multi_reduction <minimumf>, %get3A_630, %reduce_min3A [1] : vector<256x4096xf32> to vector<256xf32>
      %broadcast_in_dim3A_632 = vector.shape_cast %reduce_min3A_631 : vector<256xf32> to vector<256x1xf32>
      %get3A_633 = arith.constant 0 : index
      %get3A_634 = arith.constant 0 : index
      %get3A_635 = vector.load %arg5[%get3A_633, %get3A_634] : memref<256x8xf32, #tpu.memory_space<vmem>>, vector<256x8xf32>
      %broadcast_in_dim3A_636 = arith.constant 0xFF800000 : f32
      %broadcast_in_dim3A_637 = vector.broadcast %broadcast_in_dim3A_636 : f32 to vector<256x1xf32>
      %slice3A = vector.extract_strided_slice %get3A_635 {offsets = [0, 0], sizes = [256, 7], strides = [1, 1]} : vector<256x8xf32> to vector<256x7xf32>
      %concatenate3A = tpu.concatenate %broadcast_in_dim3A_637, %slice3A in 1 : vector<256x1xf32>, vector<256x7xf32> -> vector<256x8xf32>
      %max3A_638 = vector.broadcast %broadcast_in_dim3A_632 : vector<256x1xf32> to vector<256x8xf32>
      %max3A_639 = arith.maximumf %concatenate3A, %max3A_638 : vector<256x8xf32>
      %min3A_640 = arith.minimumf %max3A_639, %get3A_635 : vector<256x8xf32>
      %swap3A_641 = arith.constant 0 : index
      %swap3A_642 = arith.constant 0 : index
      %swap3A_643 = vector.load %arg5[%swap3A_641, %swap3A_642] : memref<256x8xf32, #tpu.memory_space<vmem>>, vector<256x8xf32>
      tpu.vector_store %arg5[%swap3A_641, %swap3A_642], %min3A_640 {strides = array<i32>} : memref<256x8xf32, #tpu.memory_space<vmem>>, vector<256x8xf32>,
      %eq3A_644 = vector.broadcast %broadcast_in_dim3A_632 : vector<256x1xf32> to vector<256x4096xf32>
      %eq3A_645 = arith.cmpf oeq, %get3A_630, %eq3A_644 : vector<256x4096xf32>
      %jit3A_646 = arith.constant 4096 : i32
      %broadcast_in_dim3A_647 = vector.broadcast %jit3A_646 : i32 to vector<256x4096xi32>
      %select_n3A_648 = arith.select %eq3A_645, %iota3A_577, %broadcast_in_dim3A_647 : vector<256x4096xi1>, vector<256x4096xi32>
      %reduce_min3A_649 = arith.constant dense<2147483647> : vector<256xi32>
      %reduce_min3A_650 = vector.multi_reduction <minsi>, %select_n3A_648, %reduce_min3A_649 [1] : vector<256x4096xi32> to vector<256xi32>
      %broadcast_in_dim3A_651 = vector.shape_cast %reduce_min3A_650 : vector<256xi32> to vector<256x1xi32>
      %eq3A_652 = vector.broadcast %broadcast_in_dim3A_651 : vector<256x1xi32> to vector<256x4096xi32>
      %eq3A_653 = arith.cmpi eq, %iota3A_577, %eq3A_652 : vector<256x4096xi32>
      %jit3A_654 = arith.constant 0x7F800000 : f32
      %broadcast_in_dim3A_655 = vector.broadcast %jit3A_654 : f32 to vector<256x4096xf32>
      %select_n3A_656 = arith.select %eq3A_653, %broadcast_in_dim3A_655, %get3A_630 : vector<256x4096xi1>, vector<256x4096xf32>
      %swap3A_657 = arith.constant 0 : index
      %swap3A_658 = arith.constant 0 : index
      %swap3A_659 = vector.load %arg6[%swap3A_657, %swap3A_658] : memref<256x4096xf32, #tpu.memory_space<vmem>>, vector<256x4096xf32>
      tpu.vector_store %arg6[%swap3A_657, %swap3A_658], %select_n3A_656 {strides = array<i32>} : memref<256x4096xf32, #tpu.memory_space<vmem>>, vector<256x4096xf32>,
    } else {
    }
    %eq3A_623 = arith.constant 63 : i32
    %eq3A_624 = arith.cmpi eq, %arg0, %eq3A_623 : i32
    %convert_element_type3A_625 = arith.extui %eq3A_624 : i1 to i32
    %cond3A_626 = arith.constant 0 : i32
    %cond3A_627 = arith.cmpi ne, %convert_element_type3A_625, %cond3A_626 : i32
    scf.if %cond3A_627 {
      %get3A_628 = arith.constant 0 : index
      %get3A_629 = arith.constant 0 : index
      %get3A_630 = vector.load %arg5[%get3A_628, %get3A_629] : memref<256x8xf32, #tpu.memory_space<vmem>>, vector<256x8xf32>
      %reduce_sum3A_631 = vector.shape_cast %get3A_630 : vector<256x8xf32> to vector<1x256x8xf32>
      %reduce_sum3A_632 = arith.constant dense<0.000000e+00> : vector<1xf32>
      %reduce_sum3A_633 = vector.multi_reduction <add>, %reduce_sum3A_631, %reduce_sum3A_632 [1, 2] : vector<1x256x8xf32> to vector<1xf32>
      %reduce_sum3A_634 = vector.shape_cast %reduce_sum3A_633 : vector<1xf32> to vector<1x1x1xf32>
      %reduce_sum3A_635 = vector.extract %reduce_sum3A_634[0, 0, 0] : f32 from vector<1x1x1xf32>
      %broadcast_in_dim3A_636 = vector.broadcast %reduce_sum3A_635 : f32 to vector<1x1xf32>
      %neg3A = arith.constant 0.000000e+00 : f32
      %neg3A_637 = vector.broadcast %neg3A : f32 to vector<1x1xf32>
      %neg3A_638 = arith.subf %neg3A_637, %broadcast_in_dim3A_636 : vector<1x1xf32>
      %div3A = arith.constant 2.048000e+03 : f32
      %div3A_639 = vector.broadcast %div3A : f32 to vector<1x1xf32>
      %div3A_640 = arith.divf %neg3A_638, %div3A_639 : vector<1x1xf32>
      %swap3A_641 = arith.constant 0 : index
      %swap3A_642 = arith.constant 0 : index
      %swap3A_643 = vector.load %arg4[%swap3A_641, %swap3A_642] : memref<1x1xf32, #tpu.memory_space<vmem>>, vector<1x1xf32>
      tpu.vector_store %arg4[%swap3A_641, %swap3A_642], %div3A_640 {strides = array<i32>} : memref<1x1xf32, #tpu.memory_space<vmem>>, vector<1x1xf32>,
    } else {
    }
    return
  }
  func.func @transform_0(%arg0: i32) -> (i32, i32) {
    %c0_i32 = arith.constant 0 : i32
    %c0_i32_0 = arith.constant 0 : i32
    %c0_i32_1 = arith.constant 0 : i32
    return %c0_i32, %c0_i32_0 : i32, i32
  }
  func.func @transform_1(%arg0: i32) -> (i32, i32) {
    %c0_i32 = arith.constant 0 : i32
    %c0_i32_0 = arith.constant 0 : i32
    %c0_i32_1 = arith.constant 0 : i32
    return %c0_i32, %c0_i32_0 : i32, i32
  }
  func.func @transform_2(%arg0: i32) -> (i32, i32, i32) {
    %c0_i32 = arith.constant 0 : i32
    %c0_i32_0 = arith.constant 0 : i32
    %c0_i32_1 = arith.constant 0 : i32
    return %c0_i32, %arg0, %c0_i32_0 : i32, i32, i32
  }
  func.func @transform_3(%arg0: i32) -> (i32, i32) {
    %c0_i32 = arith.constant 0 : i32
    %c0_i32_0 = arith.constant 0 : i32
    %c0_i32_1 = arith.constant 0 : i32
    return %c0_i32, %c0_i32_0 : i32, i32
  }
}

</mosaic_0001>

<sc_bundles>
// kernel: kernel.4.cloned.1.call-start
scs
__scs_entry_jumppad:
0x0: {  	(pc) =	sbr.rel $0x88, $3  }
0x1: {  	(tag) =	ssettag $0x0;
	lr =	simm.s32 $0x1  }
0x2: {  	[smem:$0x3F9F] =	sst lr;
	_ =	strace $0xD0000000  }
0x3: {  	_ = 	snop  }
0x4: {  	_ = 	snop  }
0x5: {  	_ = 	snop  }
0x6: {  	_ = 	snop  }
0x7: {  	_ = 	snop  }
__scs_overlays_trampoline_lowered:
0x8: {  	[smem:$0x3FAE] =	sst s0  }
0x9: {  	[smem:$0x3FAF] =	sst s1  }
0xa: {  	[smem:$0x3FB0] =	sst s2  }
0xb: {  	[smem:$0x3FB1] =	sst s3  }
0xc: {  	[smem:$0x3FB2] =	sst s4  }
0xd: {  	[smem:$0x3FB3] =	sst s5  }
0xe: {  	[smem:$0x3FB4] =	sst s6  }
0xf: {  	[smem:$0x3FB5] =	sst s7  }
0x10: {  	[smem:$0x3FB6] =	sst s8  }
0x11: {  	[smem:$0x3FB7] =	sst s9;
	s0 =	simm.s32 @!p0 $0x0  }
0x12: {  	s1 =	sld [smem:$0x3F9D];
	s0 =	simm.s32 @p0 $0x1  }
0x13: {  	[smem:$0x3FB8] =	sst s0;
	s0 =	simm.s32 @!p1 $0x0  }
0x14: {  	s2 =	sld [smem:$0x3F9C];
	s0 =	simm.s32 @p1 $0x1  }
0x15: {  	[smem:$0x3FB9] =	sst s0;
	s0 =	simm.s32 @!p2 $0x0  }
0x16: {  	s3 =	sld [smem:$0x3FDB];
	s0 =	simm.s32 @p2 $0x1  }
0x17: {  	s4 =	simm.s32 $0x1BF5;
	[smem:$0x3FBB] =	sst s0  }
0x18: {  	s0 =	sld [smem:$0x3F9E];
	_ =	swait.ge [sflag:s4], $0x0  }
0x19: {  	s7 =	sld [smem:$0x3F9F]  }
0x1a: {  	s8 =	sadd.s32 $0xFFFFE003, lr  }
0x1b: {  	s9 =	sadd.s32 $0xFFFFFEF7, lr;
	s5 =	simm.s32 $0xFFFFFFFF;
	p2 =	slt.u32 s8, $0xFFFFF086  }
0x1c: {  	p1 =	slt.u32 s9, $0xF7A;
	s5 =	simm.s32 @!p2 $0x0  }
0x1d: {  	s5 =	simm.s32 @p1 $0x1;
	p0 =	seq.s32 s7, s2  }
0x1e: {  	s7 =	smul.u32 @!p0 $0xF7A, s2;
	p2 =	seq.s32 @!p0 s5, $0x0  }
0x1f: {  	s9 =	smul.u32 $0xF7A, s1;
	s8 =	simm.s32 @!p0 $0x1BF5;
	p2 =	por !p2, p0  }
0x20: {  	[sflag:s8] =	ssyncset.s32 @!p0 $0xFFFFF086;
	s6 =	sadd.s32 @!p0 s3, s7;
	s7 =	simm.s32 @!p0 $0x108  }
0x21: {  	s3 =	sadd.s32 s3, s9;
	s6 =	sadd.s32 @!p0 $0x88, s6;
	s7 =	simm.s32 @p2 $0x1082  }
0x22: {  	[simem:s7], [sflag:s8] =	dma.local @!p0 [hbm:s6], $0xF7A  }
0x23: {  	s9 =	sor.u32 $0xD0000000, s2;
	s6 =	simm.s32 $0x108;
	_ =	swait.ge @!p0 [sflag:s8], $0x0  }
0x24: {  	s3 =	sadd.s32 $0x88, s3;
	s6 =	simm.s32 @!p1 $0x1082;
	[sflag:s4] =	ssyncset.s32 $0xFFFFF086  }
0x25: {  	[simem:s6], [sflag:s4] =	dma.local [hbm:s3], $0xF7A  }
0x26: {  	[smem:$0x3F9F] =	sst s1;
	(tag) =	ssettag s2;
	_ =	strace s9  }
0x27: {  	s1 =	sld [smem:$0x3FAF]  }
0x28: {  	s2 =	sld [smem:$0x3FB0]  }
0x29: {  	s4 =	sld [smem:$0x3FB2]  }
0x2a: {  	p0 =	seq.s32 s5, $0x0;
	s5 =	sld [smem:$0x3FB3]  }
0x2b: {  	s6 =	sld [smem:$0x3FB4]  }
0x2c: {  	s7 =	sld [smem:$0x3FB5]  }
0x2d: {  	s3 =	simm.s32 $0x108;
	s8 =	sld [smem:$0x3FB6]  }
0x2e: {  	s3 =	simm.s32 @!p0 $0x1082;
	s9 =	sld [smem:$0x3FB7]  }
0x2f: {  	lr =	sadd.s32 s0, s3;
	s0 =	sld [smem:$0x3FAE]  }
0x30: {  	s3 =	sld [smem:$0x3FB1]  }
0x31: {  	[smem:$0x3FBA] =	sst s10  }
0x32: {  	s10 =	sld [smem:$0x3FB8];
	_ =	sdelay $0x3  }
0x33: {  	p0 =	seq.s32 s10, $0x1;
	s10 =	sld [smem:$0x3FBA];
	_ =	sdelay $0x3  }
0x34: {  	[smem:$0x3FBA] =	sst s10  }
0x35: {  	s10 =	sld [smem:$0x3FB9];
	_ =	sdelay $0x3  }
0x36: {  	p1 =	seq.s32 s10, $0x1;
	s10 =	sld [smem:$0x3FBA];
	_ =	sdelay $0x3  }
0x37: {  	[smem:$0x3FBA] =	sst s10  }
0x38: {  	s10 =	sld [smem:$0x3FBB]  }
0x39: {  	_ = 	snop;
	(pc) =	sbr.ind lr, $3  }
0x3a: {  	_ = 	snop  }
0x3b: {  	_ = 	snop  }
0x3c: {  	p2 =	seq.s32 s10, $0x1;
	s10 =	sld [smem:$0x3FBA]  }
0x3d: {  	_ =	shalt  }
0x3e: {  	_ =	shalt  }
0x3f: {  	_ =	shalt  }
0x40: {  	_ =	shalt  }
0x41: {  	_ =	shalt  }
0x42: {  	_ =	shalt  }
0x43: {  	_ =	shalt  }
0x44: {  	_ =	shalt  }
0x45: {  	_ =	shalt  }
0x46: {  	_ =	shalt  }
0x47: {  	_ =	shalt  }
0x48: {  	_ =	shalt  }
0x49: {  	_ =	shalt  }
0x4a: {  	_ =	shalt  }
0x4b: {  	_ =	shalt  }
0x4c: {  	_ =	shalt  }
0x4d: {  	_ =	shalt  }
0x4e: {  	_ =	shalt  }
0x4f: {  	_ =	shalt  }
0x50: {  	_ =	shalt  }
0x51: {  	_ =	shalt  }
0x52: {  	_ =	shalt  }
0x53: {  	_ =	shalt  }
0x54: {  	_ =	shalt  }
0x55: {  	_ =	shalt  }
0x56: {  	_ =	shalt  }
0x57: {  	_ =	shalt  }
0x58: {  	_ =	shalt  }
0x59: {  	_ =	shalt  }
0x5a: {  	_ =	shalt  }
0x5b: {  	_ =	shalt  }
0x5c: {  	_ =	shalt  }
0x5d: {  	_ =	shalt  }
0x5e: {  	_ =	shalt  }
0x5f: {  	_ =	shalt  }
0x60: {  	_ =	shalt  }
0x61: {  	_ =	shalt  }
0x62: {  	_ =	shalt  }
0x63: {  	_ =	shalt  }
0x64: {  	_ =	shalt  }
0x65: {  	_ =	shalt  }
0x66: {  	_ =	shalt  }
0x67: {  	_ =	shalt  }
0x68: {  	_ =	shalt  }
0x69: {  	_ =	shalt  }
0x6a: {  	_ =	shalt  }
0x6b: {  	_ =	shalt  }
0x6c: {  	_ =	shalt  }
0x6d: {  	_ =	shalt  }
0x6e: {  	_ =	shalt  }
0x6f: {  	_ =	shalt  }
0x70: {  	_ =	shalt  }
0x71: {  	_ =	shalt  }
0x72: {  	_ =	shalt  }
0x73: {  	_ =	shalt  }
0x74: {  	_ =	shalt  }
0x75: {  	_ =	shalt  }
0x76: {  	_ =	shalt  }
0x77: {  	_ =	shalt  }
0x78: {  	_ =	shalt  }
0x79: {  	_ =	shalt  }
0x7a: {  	_ =	shalt  }
0x7b: {  	_ =	shalt  }
0x7c: {  	_ =	shalt  }
0x7d: {  	_ =	shalt  }
0x7e: {  	_ =	shalt  }
0x7f: {  	_ =	shalt  }
0x80: {  	_ =	shalt  }
0x81: {  	_ =	shalt  }
0x82: {  	_ =	shalt  }
0x83: {  	_ =	shalt  }
0x84: {  	_ =	shalt  }
0x85: {  	_ =	shalt  }
0x86: {  	_ =	shalt  }
0x87: {  	_ =	shalt  }
.Lfunc_end0:
.L_simem_size_0:
called_computation.1_lowered:
.L_overlay_start_0:
0x88: {  	s2 =	sld [smem:$0x3FD9]  }
0x89: {  	s3 =	sld [smem:$0x3FFE];
	_ =	sdelay $0x1  }
0x8a: {  	s1 =	srdreg.scid  }
0x8b: {  	s0 =	sand.u32 $0x1, s1  }
0x8c: {  	s16 =	sshll.u32 s0, $0xA;
	s2 =	sadd.s32 s3, s2  }
0x8d: {  	s2 =	sadd.s32 s2, s16  }
0x8e: {  	[smem:$0x3FC6] =	sst s2  }
0x8f: {  	_ = 	snop  }
0x90: {  	(tm) =	ssettm $0x1  }
0x91: {  	s17 =	sld [smem:$0x3FFB];
	_ =	sdelay $0x3  }
0x92: {  	_ =	strace s17  }
0x93: {  	s2 =	sld [smem:$0x3FFC];
	_ =	sdelay $0x3  }
0x94: {  	_ =	strace s2  }
0x95: {  	s2 =	sld [smem:$0x3FFD];
	_ =	sdelay $0x3  }
0x96: {  	_ =	strace s2  }
0x97: {  	_ =	strace $0x8FFFFFFF  }
0x98: {  	s18 =	sld [smem:$0x3FDB];
	_ =	sdelay $0x1  }
0x99: {  	s19 =	simm.s32 $_scs_section_size  }
0x9a: {  	s4 =	simm.s32 $_size__tile_overlayer_lowered;
	s5 =	simm.s32 $_tile_overlayer_lowered  }
0x9b: {  	s22 =	simm.s32 $0x1BFF;
	s21 =	sshll.u32 s5, $0x1;
	s2 =	sadd.s32 s19, s18  }
0x9c: {  	s6 =	simm.s32 $0x0;
	s20 =	sshll.u32 s4, $0x1;
	s4 =	sadd.s32 s21, s2  }
0x9d: {  	[timem:s6], [sflag:s22] =	dma.local [hbm:s4], s20  }
0x9e: {  	_ =	swait.ge [sflag:s22], s20  }
0x9f: {  	s3 =	ssub.s32 $0x0, s20;
	[sflag:s22] =	ssyncset.done $0x0  }
0xa0: {  	[sflag:s22] =	ssyncadd.s32 s3;
	_ =	sdelay $0x1  }
0xa1: {  	s23 =	simm.s32 $0x1B8B  }
0xa2: {  	_ =	swait.ge [sflag:s23], $0x1  }
0xa3: {  	[sflag:s23] =	ssyncset.done $0x0  }
0xa4: {  	s25 =	simm.s32 $0x1B8E;
	s24 =	sld [smem:$0x3FFE];
	[sflag:s23] =	ssyncadd.s32 $0xFFFFFFFF  }
0xa5: {  	s26 =	simm.s32 $execute0_lowered;
	[smem:$0x3FD2] =	sst s25  }
0xa6: {  	s4 =	sshll.u32 s26, $0x1;
	_ =	strace $0x80000049;
	[dreg:$0x1] =	wrdreg $0xFFFFFFFF  }
0xa7: {  	s28 =	simm.s32 $_size_execute0_lowered;
	s2 =	sadd.s32 s2, s4;
	[dreg:$0x0] =	wrdreg $0x0  }
0xa8: {  	s4 =	sshll.u32 s28, $0x1;
	[dreg:$0x2] =	wrdreg s2  }
0xa9: {  	[dreg:$0x3] =	wrdreg s4  }
0xaa: {  	[dreg:$0x4] =	wrdreg $0xC0  }
0xab: {  	_ =	task [dreg:s6], $0x5FFFF  }
0xac: {  	[dreg:$0x1] =	wrdreg $0xFFFFFFFF  }
0xad: {  	[dreg:$0x0] =	wrdreg $0x60  }
0xae: {  	[dreg:$0x2] =	wrdreg s24  }
0xaf: {  	[dreg:$0x3] =	wrdreg $0x9  }
0xb0: {  	_ =	task.clear_ibuf [dreg:s6], $0x4FFFF;
	_ =	strace $0x90000049  }
0xb1: {  	s29 =	simm.s32 $0x9;
	_ =	strace $0x8000004B  }
0xb2: {  	_ =	swait.ge [sflag:s29], $0x1  }
0xb3: {  	[sflag:s29] =	ssyncadd.s32 $0xFFFFFFFF  }
0xb4: {  	_ =	strace $0x9000004B  }
0xb5: {  	_ =	sfence  }
0xb6: {  	s30 =	sld [smem:$0x0];
	_ =	sdelay $0x2  }
0xb7: {  	s31 =	sshll.u32 s1, $0xD;
	s1 =	sshrl.u32 s1, $0x2  }
0xb8: {  	s3 =	sand.u32 $0x4000, s31;
	s1 =	sadd.s32 s1, s30  }
0xb9: {  	s0 =	sor.u32 s3, s0;
	s1 =	sshll.u32 s1, $0x11  }
0xba: {  	s0 =	sor.u32 s1, s0  }
0xbb: {  	s0 =	sadd.s32 $0x8F2B, s0  }
0xbc: {  	[sflag:s0] =	ssyncadd.remote.s32 $0x1  }
0xbd: {  	_ =	sfence.sel $0xFFFF  }
0xbe: {  	[dreg:$0x0] =	wrdreg $0xFFFFFFFF;
	(pc) =	sbr.abs _section_cstart, $3  }
0xbf: {  	[dreg:$0x1] =	wrdreg $0xFFFFFFFF  }
0xc0: {  	_ =	task.clear_ibuf [dreg:s6], $0x2FFFF;
	_ =	strace $0x9FFFFFFF  }
0xc1: {  	(tm) =	ssettm $0x7FFFFFFF  }
tec
execute0_lowered:
.L_overlay_start_1:
0x0: {  	(tag) =	ssettag $0x1  }
0x1: {  	s2 =	rddreg [dreg:$0x0];
	s3 =	srdreg.scid  }
0x2: {  	s0 =	rddreg [dreg:$0x1];
	s1 =	stileid.u32;
	s6 =	sand.u32 $0x1, s3  }
0x3: {  	s4 =	simm.s32 $0x0;
	s5 =	sshll.u32 s1, $0x1;
	s7 =	smul.u32 $0xC00000, s6  }
0x4: {  	[smem:$0x7FF] =	sst s4;
	s20 =	sadd.s32 s5, s2  }
0x5: {  	_ =	strace $0x8000004A;
	s5 =	sadd.s32 $0x300000, s20;
	s22 =	sor.u32 $0x280000, s7  }
0x6: {  	[tilespmem:s4], [sflag:$0x2] =	stream.linear.gather [hbm4b:s5+s4], $0x10, $0x38;
	[tilespmem:$0x680] =	vst v63  }
0x7: {  	s23 =	sor.u32 $0x2C0000, s7;
	v11 =	vmov s22;
	s22 =	sadd.s32 $0x640000, s7  }
0x8: {  	s3 =	simm.s32 $0x2;
	v12 =	vmov s23;
	s23 =	sadd.s32 $0x680000, s7;
	v0 =	vmov s22  }
0x9: {  	s21 =	sor.u32 $0x40000, s7;
	s8 =	sor.u32 $0x80000, s7;
	s24 =	sor.u32 $0x300000, s7;
	[tilespmem:$0x1FFF0] =	vst v0;
	v0 =	vmov s23  }
0xa: {  	s9 =	sor.u32 $0xC0000, s7;
	s25 =	sor.u32 $0x340000, s7;
	v13 =	vmov s24;
	s24 =	sadd.s32 $0x6C0000, s7;
	[tilespmem:$0x1FEE0] =	vst v0  }
0xb: {  	s26 =	sor.u32 $0x380000, s7;
	v14 =	vmov s25;
	s25 =	sadd.s32 $0x700000, s7;
	v0 =	vmov s24;
	_ =	swait.ge [sflag:s3], $0x10  }
0xc: {  	s10 =	sor.u32 $0x100000, s7;
	s28 =	sor.u32 $0x3C0000, s7;
	v15 =	vmov s26;
	s26 =	sadd.s32 $0x740000, s7;
	[tilespmem:$0x1FEF0] =	vst v0;
	v0 =	vmov s25  }
0xd: {  	s29 =	sadd.s32 $0x400000, s7;
	v16 =	vmov s28;
	s28 =	sadd.s32 $0x780000, s7;
	[sflag:s3] =	ssyncset.done $0x0;
	[tilespmem:$0x1FF00] =	vst v0;
	v0 =	vmov s26  }
0xe: {  	s30 =	sadd.s32 $0x440000, s7;
	v52 =	vmov s29;
	s29 =	sadd.s32 $0x7C0000, s7;
	[sflag:s3] =	ssyncadd.s32 $0xFFFFFFF0;
	[tilespmem:$0x1FF10] =	vst v0;
	v0 =	vmov s28  }
0xf: {  	s11 =	sor.u32 $0x140000, s7;
	s31 =	sadd.s32 $0x480000, s7;
	v55 =	vmov s30;
	s30 =	sadd.s32 $0x800000, s7;
	v48 =	vld [tilespmem:$0x0];
	[tilespmem:$0x1FF20] =	vst v0;
	v0 =	vmov s29  }
0x10: {  	s12 =	sor.u32 $0x180000, s7;
	s13 =	sor.u32 $0x1C0000, s7;
	v2 =	vmov s7;
	v35 =	vmov s31;
	s31 =	sadd.s32 $0x840000, s7;
	[tilespmem:$0x1FF30] =	vst v0;
	v0 =	vmov s30  }
0x11: {  	s14 =	sor.u32 $0x200000, s7;
	s15 =	sor.u32 $0x240000, s7;
	v1 =	vmov s21;
	v7 =	vmov s12;
	s12 =	sadd.s32 $0x880000, s7;
	[tilespmem:$0x1FF40] =	vst v0;
	v0 =	vmov s31  }
0x12: {  	s16 =	sadd.s32 $0x4C0000, s7;
	s17 =	sadd.s32 $0x500000, s7;
	v3 =	vmov s8;
	v28 =	vmov s13;
	s13 =	sadd.s32 $0x8C0000, s7;
	[tilespmem:$0x1FF50] =	vst v0;
	v0 =	vmov s12  }
0x13: {  	s18 =	sadd.s32 $0x540000, s7;
	s19 =	sadd.s32 $0x580000, s7;
	s20 =	sadd.s32 $0x5C0000, s7;
	v9 =	vmov s14;
	v10 =	vmov s15;
	[tilespmem:$0x1FF60] =	vst v0;
	v0 =	vmov s13  }
0x14: {  	s21 =	sadd.s32 $0x600000, s7;
	v8 =	vmov s16;
	v37 =	vmov s17;
	s14 =	sadd.s32 $0x900000, s7;
	s15 =	sadd.s32 $0x940000, s7;
	v17 =	vmovc v1;
	v1 =	vadd.s32 v1, v48;
	[tilespmem:$0x1FF70] =	vst v0  }
0x15: {  	v38 =	vmov s18;
	v56 =	vmov s19;
	s16 =	sadd.s32 $0x980000, s7;
	s17 =	sadd.s32 $0x9C0000, s7;
	s18 =	sadd.s32 $0xA00000, s7;
	v0 =	vmov s15;
	[tilespmem:$0x90] =	vst v1  }
0x16: {  	v40 =	vmov s20;
	s19 =	sadd.s32 $0xA40000, s7;
	s20 =	sadd.s32 $0xA80000, s7;
	v42 =	vmov s21;
	s21 =	sadd.s32 $0xAC0000, s7;
	[tilespmem:$0x1FF80] =	vst v0;
	v0 =	vmov s16  }
0x17: {  	v4 =	vmov s9;
	v5 =	vmov s10;
	s22 =	sadd.s32 $0xB00000, s7;
	s23 =	sadd.s32 $0xB40000, s7;
	s24 =	sadd.s32 $0xB80000, s7;
	[tilespmem:$0x1FF90] =	vst v0;
	v0 =	vmov s17  }
0x18: {  	v6 =	vmov s11;
	v43 =	vmov s14;
	s7 =	sadd.s32 $0xBC0000, s7;
	s25 =	smul.u32 $0x3000, s6;
	s26 =	sshrl.u32 s1, $0x3;
	[tilespmem:$0x1FFA0] =	vst v0;
	v0 =	vmov s18  }
0x19: {  	v41 =	vmovc v2;
	v45 =	vmov s20;
	v18 =	vmovc v3;
	v47 =	vmov s7;
	s28 =	smul.u32 $0x1800, s26;
	[tilespmem:$0x1FFB0] =	vst v0;
	v0 =	vmov s19  }
0x1a: {  	v32 =	vmovc v52;
	v33 =	vmovc v55;
	s6 =	ssub.s32 $0x2, s6;
	s29 =	sshll.u32 s1, $0x7;
	v61 =	vadd.s32 v4, v48;
	v59 =	vadd.s32 v6, v48;
	[tilespmem:$0x1FFC0] =	vst v0;
	v0 =	vmov s21  }
0x1b: {  	v36 =	vmovc v37;
	v39 =	vmovc v40;
	s7 =	sadd.s32 s25, s28;
	s8 =	sand.u32 $0x380, s29;
	s30 =	sshrl.u32 s6, $0x1;
	v63 =	vadd.s32 v7, v48;
	v49 =	vadd.s32 v12, v48;
	[tilespmem:$0x1FFD0] =	vst v0;
	v0 =	vmov s22  }
0x1c: {  	s7 =	sor.u32 s8, s7;
	s8 =	ssub.s32 s6, s30;
	v50 =	vadd.s32 v9, v48;
	v54 =	vadd.s32 v10, v48;
	[tilespmem:$0x1FFE0] =	vst v0;
	v0 =	vadd.s32 v2, v48  }
0x1d: {  	s31 =	smax.u32 s8, $0x1;
	v58 =	vadd.s32 v11, v48;
	[tilespmem:$0x80] =	vst v0;
	v0 =	vadd.s32 v3, v48;
	v3 =	vadd.s32 v5, v48  }
0x1e: {  	v57 =	vadd.s32 v28, v48;
	v62 =	vadd.s32 v14, v48;
	v51 =	vadd.s32 v16, v48;
	p0 =	sne.s32 s31, $0x1;
	[tilespmem:$0xC0] =	vst v3;
	v3 =	vld [tilespmem:$0x1FFF0]  }
.Ltmp0:
0x1f: {  	v53 =	vadd.s32 v52, v48;
	v60 =	vadd.s32 v55, v48;
	v52 =	vadd.s32 v37, v48;
	[tilespmem:$0x130] =	vst v49;
	(pc) =	sbr.rel @!p0 .LBB2_3-.Ltmp0, $4  }
0x20: {  	v44 =	vmov s23;
	v37 =	vmovc v38;
	v55 =	vadd.s32 v38, v48;
	v38 =	vmovc v56;
	v1 =	vadd.s32 v13, v48;
	[tilespmem:$0xE0] =	vst v63  }
0x21: {  	s9 =	simm.s32 $0x380;
	s10 =	simm.s32 $0x1;
	s7 =	sshrl.u32 s7, $0x3;
	v56 =	vadd.s32 v56, v48;
	v49 =	vadd.s32 v15, v48;
	[tilespmem:$0x140] =	vst v1;
	v2 =	vadd.s32 v47, v48  }
0x22: {  	s11 =	simm.s32 $0x400;
	s8 =	simm.s32 $0x80;
	s7 =	sadd.s32 s7, s2;
	v63 =	vadd.s32 v40, v48;
	v1 =	vadd.s32 v42, v48;
	[tilespmem:$0x370] =	vst v2;
	v2 =	vadd.s32 v8, v48  }
0x23: {  	v46 =	vmov s24;
	s12 =	sadd.s32 $0xFFFFFFFF, s31;
	s6 =	sadd.s32 $0x300200, s7;
	s7 =	simm.s32 $0x300;
	v40 =	vmovc v42;
	[tilespmem:$0xA0] =	vst v0;
	v0 =	vadd.s32 v35, v48;
	v42 =	vmovc v3;
	v3 =	vadd.s32 v3, v48  }
0x24: {  	v19 =	vmovc v4;
	v20 =	vmovc v5;
	v21 =	vmov v6;
	v22 =	vmov v7;
	v27 =	vmov v12  }
0x25: {  	v24 =	vmovc v9;
	v25 =	vmovc v10;
	v26 =	vmov v11;
	v23 =	vmov v28;
	v28 =	vmov v13  }
0x26: {  	v29 =	vmovc v14;
	v30 =	vmovc v15;
	v31 =	vmov v16;
	v34 =	vmov v35;
	v35 =	vmov v8  }
.LBB2_2:
0x27: {  	[tilespmem:$0x1B0] =	vst v2  }
0x28: {  	[tilespmem:$0xB0] =	vst v61  }
0x29: {  	[tilespmem:$0x210] =	vst v3  }
0x2a: {  	[tilespmem:$0x1A0] =	vst v0  }
0x2b: {  	[tilespmem:$0x150] =	vst v62  }
0x2c: {  	[tilespmem:$0x200] =	vst v1  }
0x2d: {  	[tilespmem:$0xD0] =	vst v59  }
0x2e: {  	[tilespmem:$0x1F0] =	vst v63  }
0x2f: {  	[tilespmem:$0x190] =	vst v60  }
0x30: {  	[tilespmem:$0x120] =	vst v58  }
0x31: {  	[tilespmem:$0xF0] =	vst v57  }
0x32: {  	[tilespmem:$0x110] =	vst v54  }
0x33: {  	[tilespmem:$0x100] =	vst v50  }
0x34: {  	[tilespmem:$0x1E0] =	vst v56  }
0x35: {  	v6 =	vld [tilespmem:$0x1FF10];
	[tilespmem:$0x1D0] =	vst v55  }
0x36: {  	v14 =	vld [tilespmem:$0x1FF20];
	[tilespmem:$0x180] =	vst v53  }
0x37: {  	v11 =	vld [tilespmem:$0x1FF80];
	[tilespmem:$0x170] =	vst v51  }
0x38: {  	v15 =	vld [tilespmem:$0x1FFD0];
	[tilespmem:$0x160] =	vst v49  }
0x39: {  	v10 =	vadd.s32 v43, v48;
	v13 =	vld [tilespmem:$0x1FFB0];
	[tilespmem:$0x1C0] =	vst v52  }
0x3a: {  	v12 =	vld [tilespmem:$0x1FF90];
	v16 =	vadd.s32 v44, v48;
	[tilespmem:$0x2C0] =	vst v10  }
0x3b: {  	v1 =	vld [tilespmem:$0x1FFC0];
	[tilespmem:$0x350] =	vst v16;
	v61 =	vadd.s32 v6, v48;
	v6 =	vadd.s32 v14, v48;
	v14 =	vadd.s32 v45, v48  }
0x3c: {  	v4 =	vld [tilespmem:$0x1FEF0];
	v11 =	vadd.s32 v11, v48;
	[tilespmem:$0x320] =	vst v14  }
0x3d: {  	v5 =	vld [tilespmem:$0x1FF00];
	v15 =	vadd.s32 v15, v48;
	[tilespmem:$0x2D0] =	vst v11  }
0x3e: {  	v2 =	vld [tilespmem:$0x1FEE0];
	v13 =	vadd.s32 v13, v48;
	[tilespmem:$0x330] =	vst v15  }
0x3f: {  	v7 =	vld [tilespmem:$0x1FF30];
	v62 =	vadd.s32 v12, v48;
	[tilespmem:$0x300] =	vst v13  }
0x40: {  	v1 =	vadd.s32 v1, v48;
	[tilespmem:$0x2E0] =	vst v62  }
0x41: {  	v4 =	vadd.s32 v4, v48;
	[tilespmem:$0x310] =	vst v1  }
0x42: {  	v9 =	vld [tilespmem:$0x1FF60];
	v5 =	vadd.s32 v5, v48;
	[tilespmem:$0x230] =	vst v4  }
0x43: {  	v8 =	vld [tilespmem:$0x1FF50];
	v2 =	vadd.s32 v2, v48;
	[tilespmem:$0x240] =	vst v5  }
0x44: {  	v3 =	vld [tilespmem:$0x1FF40];
	v7 =	vadd.s32 v7, v48;
	[tilespmem:$0x220] =	vst v2  }
0x45: {  	v0 =	vld [tilespmem:$0x1FF70];
	[tilespmem:$0x270] =	vst v7  }
0x46: {  	v10 =	vld [tilespmem:$0x1FFE0];
	[tilespmem:$0x260] =	vst v6  }
0x47: {  	v9 =	vadd.s32 v9, v48;
	v12 =	vld [tilespmem:$0x1FFA0];
	[tilespmem:$0x250] =	vst v61  }
0x48: {  	v8 =	vadd.s32 v8, v48;
	[tilespmem:$0x2A0] =	vst v9  }
0x49: {  	v3 =	vadd.s32 v3, v48;
	[tilespmem:$0x290] =	vst v8  }
0x4a: {  	v0 =	vadd.s32 v0, v48;
	[tilespmem:$0x280] =	vst v3  }
0x4b: {  	v10 =	vadd.s32 v10, v48;
	[tilespmem:$0x2B0] =	vst v0  }
0x4c: {  	[tilespmem:$0x340] =	vst v10;
	v12 =	vadd.s32 v12, v48;
	v48 =	vadd.s32 v46, v48  }
0x4d: {  	[tilespmem:$0x360] =	vst v48  }
0x4e: {  	[tilespmem:$0x2F0] =	vst v12  }
0x4f: {  	[tilespmem:s9], [sflag:$0x1] =	stream.indirect.gather [hbm4b:s2+s7], $0x1, s8, s7, $0xb8;
	[tilespmem:$0x680] =	vst v63  }
0x50: {  	_ =	swait.ge [sflag:s10], $0x300  }
0x51: {  	[sflag:s10] =	ssyncset.done $0x0  }
0x52: {  	[sflag:s10] =	ssyncadd.s32 $0xFFFFFD00  }
0x53: {  	[hbm4b:s6+s8] =	stream.strided.scatter [tilespmem:s9], [sflag:$0x2], $0x300, s11, s8, $0x38;
	[tilespmem:$0x680] =	vst v63  }
0x54: {  	_ =	swait.ge [sflag:s3], $0x300  }
0x55: {  	[sflag:s3] =	ssyncset.done $0x0  }
0x56: {  	[sflag:s3] =	ssyncadd.s32 $0xFFFFFD00  }
0x57: {  	[tilespmem:s4], [sflag:$0x2] =	stream.linear.gather [hbm4b:s5+s4], $0x10, $0x38;
	[tilespmem:$0x680] =	vst v63  }
0x58: {  	_ =	swait.ge [sflag:s3], $0x10  }
0x59: {  	[sflag:s3] =	ssyncset.done $0x0  }
0x5a: {  	[sflag:s3] =	ssyncadd.s32 $0xFFFFFFF0  }
0x5b: {  	v48 =	vld [tilespmem:$0x0];
	_ =	sdelay $0x4  }
0x5c: {  	v0 =	vadd.s32 v41, v48;
	v1 =	vadd.s32 v17, v48;
	v2 =	vadd.s32 v47, v48  }
0x5d: {  	v61 =	vadd.s32 v19, v48;
	v3 =	vadd.s32 v20, v48;
	v59 =	vadd.s32 v21, v48;
	[tilespmem:$0x80] =	vst v0  }
0x5e: {  	v4 =	vadd.s32 v22, v48;
	v5 =	vadd.s32 v27, v48;
	v50 =	vadd.s32 v24, v48;
	[tilespmem:$0x370] =	vst v2  }
0x5f: {  	p0 =	sne.s32 s12, $0x1;
	v54 =	vadd.s32 v25, v48;
	v58 =	vadd.s32 v26, v48;
	v57 =	vadd.s32 v23, v48;
	[tilespmem:$0x90] =	vst v1  }
.Ltmp1:
0x60: {  	v62 =	vadd.s32 v29, v48;
	v49 =	vadd.s32 v30, v48;
	v51 =	vadd.s32 v31, v48;
	[tilespmem:$0xC0] =	vst v3;
	(pc) =	sbr.rel @p0 .LBB2_2-.Ltmp1, $4  }
0x61: {  	v53 =	vadd.s32 v32, v48;
	v60 =	vadd.s32 v33, v48;
	v52 =	vadd.s32 v36, v48;
	[tilespmem:$0x130] =	vst v5  }
0x62: {  	v55 =	vadd.s32 v37, v48;
	v56 =	vadd.s32 v38, v48;
	v0 =	vadd.s32 v18, v48;
	[tilespmem:$0xE0] =	vst v4  }
0x63: {  	v63 =	vadd.s32 v39, v48;
	v1 =	vadd.s32 v28, v48;
	v2 =	vadd.s32 v35, v48;
	[tilespmem:$0xA0] =	vst v0  }
0x64: {  	s12 =	sadd.s32 $0xFFFFFFFF, s12;
	v3 =	vadd.s32 v42, v48;
	v0 =	vadd.s32 v34, v48;
	[tilespmem:$0x140] =	vst v1;
	v1 =	vadd.s32 v40, v48  }
.LBB2_3:
0x65: {  	[tilespmem:$0x1B0] =	vst v2  }
0x66: {  	[tilespmem:$0xB0] =	vst v61  }
0x67: {  	[tilespmem:$0x210] =	vst v3  }
0x68: {  	[tilespmem:$0x1A0] =	vst v0  }
0x69: {  	[tilespmem:$0x150] =	vst v62  }
0x6a: {  	[tilespmem:$0x200] =	vst v1  }
0x6b: {  	[tilespmem:$0xD0] =	vst v59  }
0x6c: {  	[tilespmem:$0x1F0] =	vst v63  }
0x6d: {  	[tilespmem:$0x190] =	vst v60  }
0x6e: {  	[tilespmem:$0x120] =	vst v58  }
0x6f: {  	[tilespmem:$0xF0] =	vst v57  }
0x70: {  	[tilespmem:$0x110] =	vst v54  }
0x71: {  	[tilespmem:$0x100] =	vst v50  }
0x72: {  	[tilespmem:$0x1E0] =	vst v56  }
0x73: {  	[tilespmem:$0x1D0] =	vst v55  }
0x74: {  	[tilespmem:$0x180] =	vst v53  }
0x75: {  	[tilespmem:$0x170] =	vst v51  }
0x76: {  	v38 =	vld [tilespmem:$0x1FF80];
	[tilespmem:$0x160] =	vst v49  }
0x77: {  	v35 =	vadd.s32 v43, v48;
	v40 =	vld [tilespmem:$0x1FFD0];
	[tilespmem:$0x1C0] =	vst v52  }
0x78: {  	v36 =	vadd.s32 v45, v48;
	v41 =	vld [tilespmem:$0x1FFE0];
	[tilespmem:$0x2C0] =	vst v35  }
0x79: {  	v37 =	vadd.s32 v46, v48;
	v43 =	vld [tilespmem:$0x1FFA0];
	[tilespmem:$0x320] =	vst v36  }
0x7a: {  	v39 =	vadd.s32 v44, v48;
	v42 =	vld [tilespmem:$0x1FFB0];
	[tilespmem:$0x360] =	vst v37  }
0x7b: {  	v45 =	vld [tilespmem:$0x1FFC0];
	[tilespmem:$0x350] =	vst v39;
	v0 =	vadd.s32 v38, v48  }
0x7c: {  	v44 =	vld [tilespmem:$0x1FF90];
	v1 =	vadd.s32 v40, v48;
	[tilespmem:$0x2D0] =	vst v0  }
0x7d: {  	v47 =	vld [tilespmem:$0x1FF00];
	v0 =	vadd.s32 v41, v48;
	[tilespmem:$0x330] =	vst v1  }
0x7e: {  	v46 =	vld [tilespmem:$0x1FEF0];
	v1 =	vadd.s32 v43, v48;
	[tilespmem:$0x340] =	vst v0  }
0x7f: {  	v59 =	vld [tilespmem:$0x1FF10];
	v0 =	vadd.s32 v42, v48;
	[tilespmem:$0x2F0] =	vst v1  }
0x80: {  	v54 =	vld [tilespmem:$0x1FEE0];
	v1 =	vadd.s32 v45, v48;
	[tilespmem:$0x300] =	vst v0  }
0x81: {  	v62 =	vld [tilespmem:$0x1FF40];
	v0 =	vadd.s32 v44, v48;
	[tilespmem:$0x310] =	vst v1  }
0x82: {  	v57 =	vld [tilespmem:$0x1FF30];
	v1 =	vadd.s32 v47, v48;
	[tilespmem:$0x2E0] =	vst v0  }
0x83: {  	v58 =	vld [tilespmem:$0x1FF20];
	v0 =	vadd.s32 v46, v48;
	[tilespmem:$0x240] =	vst v1  }
0x84: {  	v60 =	vld [tilespmem:$0x1FF60];
	v1 =	vadd.s32 v59, v48;
	[tilespmem:$0x230] =	vst v0  }
0x85: {  	v61 =	vld [tilespmem:$0x1FF50];
	v0 =	vadd.s32 v54, v48;
	[tilespmem:$0x250] =	vst v1  }
0x86: {  	v63 =	vld [tilespmem:$0x1FF70];
	v1 =	vadd.s32 v62, v48;
	[tilespmem:$0x220] =	vst v0  }
0x87: {  	v0 =	vadd.s32 v57, v48;
	[tilespmem:$0x280] =	vst v1  }
0x88: {  	[tilespmem:$0x270] =	vst v0;
	v0 =	vadd.s32 v58, v48  }
0x89: {  	[tilespmem:$0x260] =	vst v0;
	v0 =	vadd.s32 v60, v48  }
0x8a: {  	[tilespmem:$0x2A0] =	vst v0;
	v0 =	vadd.s32 v61, v48  }
0x8b: {  	[tilespmem:$0x290] =	vst v0;
	v0 =	vadd.s32 v63, v48  }
0x8c: {  	[tilespmem:$0x2B0] =	vst v0  }
0x8d: {  	[tilespmem:s9], [sflag:$0x1] =	stream.indirect.gather [hbm4b:s2+s7], $0x1, s8, s7, $0xb8;
	[tilespmem:$0x680] =	vst v63  }
0x8e: {  	_ =	swait.ge [sflag:s10], $0x300  }
0x8f: {  	[sflag:s10] =	ssyncset.done $0x0  }
0x90: {  	[sflag:s10] =	ssyncadd.s32 $0xFFFFFD00  }
0x91: {  	[hbm4b:s6+s8] =	stream.strided.scatter [tilespmem:s9], [sflag:$0x2], $0x300, s11, s8, $0x38;
	[tilespmem:$0x680] =	vst v63  }
0x92: {  	_ =	swait.ge [sflag:s3], $0x300  }
0x93: {  	[sflag:s3] =	ssyncset.done $0x0  }
0x94: {  	[sflag:s3] =	ssyncadd.s32 $0xFFFFFD00  }
0x95: {  	_ =	sfence.sel $0x180000  }
0x96: {  	[bflag:$0x0] =	sbarrier.arrive $0xFFFF  }
0x97: {  	p0 =	sne.s32 s1, $0x0;
	_ =	strace $0x9000004A  }
0x98: {  	s0 =	sadd.s32 @!p0 $0x100000, s0;
	[bflag:$0x2] =	sbarrier.arrive $0xFFFF  }
0x99: {  	[sflag:s0] =	ssyncadd.tile.s32 @!p0 $0x1;
	_ =	shalt  }
.Lfunc_end2:
_tile_overlayer_lowered:
.L_overlay_start_2:
0x9a: {  	(tag) =	ssettag $0x2  }
0x9b: {  	s0 =	rddreg [dreg:$0x0];
	s2 =	stileid.u32  }
0x9c: {  	s1 =	rddreg [dreg:$0x1];
	p0 =	sne.s32 s2, $0x0  }
0x9d: {  	s3 =	rddreg [dreg:$0x2];
	[bflag:$0x3] =	sbarrier.arrive $0xFFFF;
	s2 =	simm.s32 @!p0 $0x1C02  }
0x9e: {  	[timem:s3], [sflag:s2] =	dma.local @!p0 [hbm:s0], s1  }
0x9f: {  	s0 =	simm.s32 @!p0 $0x2  }
0xa0: {  	_ =	swait.ge @!p0 [sflag:s0], s1  }
0xa1: {  	s1 =	ssub.s32 @!p0 $0x0, s1;
	[sflag:s0] =	ssyncset.done @!p0 $0x0  }
0xa2: {  	[sflag:s0] =	ssyncadd.s32 @!p0 s1  }
0xa3: {  	[bflag:$0x3] =	sbarrier.arrive $0xFFFF  }
0xa4: {  	_ =	shalt  }

// kernel: sparse-core-data-format-call.cloned.1.call-start
scs
called_computation_lowered:
.L_overlay_start_0:
0x0: {  	s2 =	sld [smem:$0x3FD9]  }
0x1: {  	s3 =	sld [smem:$0x3FFE];
	_ =	sdelay $0x1  }
0x2: {  	s1 =	srdreg.scid  }
0x3: {  	s0 =	sand.u32 $0x1, s1  }
0x4: {  	s18 =	sshll.u32 s0, $0xA;
	s2 =	sadd.s32 s3, s2  }
0x5: {  	s2 =	sadd.s32 s2, s18  }
0x6: {  	[smem:$0x3FC6] =	sst s2  }
0x7: {  	_ = 	snop  }
0x8: {  	s2 =	sld [smem:$0x3FC9];
	(tm) =	ssettm $0x1  }
0x9: {  	s19 =	sld [smem:$0x3FFB];
	_ =	sdelay $0x3  }
0xa: {  	_ =	strace s19  }
0xb: {  	s3 =	sld [smem:$0x3FFC];
	_ =	sdelay $0x3  }
0xc: {  	_ =	strace s3  }
0xd: {  	s3 =	sld [smem:$0x3FFD];
	_ =	sdelay $0x3  }
0xe: {  	_ =	strace s3  }
0xf: {  	_ =	strace $0x8FFFFFFF  }
0x10: {  	s20 =	sld [smem:$0x3FDB];
	_ =	sdelay $0x1  }
0x11: {  	s4 =	simm.s32 $_scs_section_size  }
0x12: {  	s5 =	simm.s32 $_size__tile_overlayer_lowered;
	s6 =	simm.s32 $_tile_overlayer_lowered  }
0x13: {  	s23 =	simm.s32 $0x1BFF;
	s22 =	sshll.u32 s6, $0x1;
	s3 =	sadd.s32 s4, s20  }
0x14: {  	s7 =	simm.s32 $0x0;
	s21 =	sshll.u32 s5, $0x1;
	s5 =	sadd.s32 s22, s3  }
0x15: {  	[timem:s7], [sflag:s23] =	dma.local [hbm:s5], s21  }
0x16: {  	_ =	swait.ge [sflag:s23], s21  }
0x17: {  	s4 =	ssub.s32 $0x0, s21;
	[sflag:s23] =	ssyncset.done $0x0  }
0x18: {  	[sflag:s23] =	ssyncadd.s32 s4;
	_ =	sdelay $0x1  }
0x19: {  	s24 =	simm.s32 $0x1B8B  }
0x1a: {  	_ =	swait.ge [sflag:s24], $0x1  }
0x1b: {  	[sflag:s24] =	ssyncset.done $0x0  }
0x1c: {  	s26 =	simm.s32 $0x1B8E;
	s25 =	sld [smem:$0x3FFE];
	[sflag:s24] =	ssyncadd.s32 $0xFFFFFFFF  }
0x1d: {  	s27 =	simm.s32 $execute0_lowered;
	[smem:$0x3FD2] =	sst s26  }
0x1e: {  	s5 =	sshll.u32 s27, $0x1;
	_ =	strace $0x80000046;
	[dreg:$0x1] =	wrdreg $0xFFFFFFFF  }
0x1f: {  	s28 =	simm.s32 $_size_execute0_lowered;
	s3 =	sadd.s32 s3, s5;
	[dreg:$0x0] =	wrdreg $0x0  }
0x20: {  	s5 =	sshll.u32 s28, $0x1;
	[dreg:$0x2] =	wrdreg s3  }
0x21: {  	[dreg:$0x3] =	wrdreg s5  }
0x22: {  	[dreg:$0x4] =	wrdreg $0xC0  }
0x23: {  	_ =	task [dreg:s7], $0x5FFFF  }
0x24: {  	[dreg:$0x1] =	wrdreg $0xFFFFFFFF  }
0x25: {  	[dreg:$0x0] =	wrdreg $0x60  }
0x26: {  	[dreg:$0x2] =	wrdreg s2  }
0x27: {  	[dreg:$0x3] =	wrdreg s25  }
0x28: {  	[dreg:$0x4] =	wrdreg $0x9  }
0x29: {  	_ =	task.clear_ibuf [dreg:s7], $0x5FFFF;
	_ =	strace $0x90000046  }
0x2a: {  	s29 =	simm.s32 $0x9;
	_ =	strace $0x80000048  }
0x2b: {  	_ =	swait.ge [sflag:s29], $0x1  }
0x2c: {  	[sflag:s29] =	ssyncadd.s32 $0xFFFFFFFF  }
0x2d: {  	_ =	strace $0x90000048  }
0x2e: {  	_ =	sfence  }
0x2f: {  	s30 =	sld [smem:$0x0];
	_ =	sdelay $0x2  }
0x30: {  	s31 =	sshll.u32 s1, $0xD;
	s1 =	sshrl.u32 s1, $0x2  }
0x31: {  	s3 =	sand.u32 $0x4000, s31;
	s1 =	sadd.s32 s1, s30  }
0x32: {  	s0 =	sor.u32 s3, s0;
	s1 =	sshll.u32 s1, $0x11  }
0x33: {  	s0 =	sor.u32 s1, s0  }
0x34: {  	s0 =	sadd.s32 $0x8F2B, s0  }
0x35: {  	[sflag:s0] =	ssyncadd.remote.s32 $0x1  }
0x36: {  	_ =	sfence.sel $0xFFFF  }
0x37: {  	[dreg:$0x0] =	wrdreg $0xFFFFFFFF;
	(pc) =	sbr.abs _section_cstart, $3  }
0x38: {  	[dreg:$0x1] =	wrdreg $0xFFFFFFFF  }
0x39: {  	_ =	task.clear_ibuf [dreg:s7], $0x2FFFF;
	_ =	strace $0x9FFFFFFF  }
0x3a: {  	(tm) =	ssettm $0x7FFFFFFF  }
0x3b: {  	_ =	shalt  }
tec
execute0_lowered:
.L_overlay_start_1:
0x0: {  	(tag) =	ssettag $0x1  }
0x1: {  	s0 =	srdreg.scid  }
0x2: {  	s1 =	sshll.u32 s0, $0x4  }
0x3: {  	s2 =	rddreg [dreg:$0x0];
	s0 =	stileid.u32;
	s1 =	sand.u32 $0x10, s1  }
0x4: {  	s4 =	rddreg [dreg:$0x1];
	s1 =	sor.u32 s0, s1  }
0x5: {  	s7 =	simm.s32 $0x1;
	s8 =	simm.s32 $0x2;
	s3 =	sshll.u32 s1, $0x2  }
0x6: {  	s9 =	simm.s32 $0x0;
	s12 =	simm.s32 $0x0;
	s6 =	ssub.s32 $0x1800, s3  }
.Ltmp0:
0x7: {  	s11 =	simm.s32 $0x0;
	s5 =	sand.u32 $0x7C, s6;
	(pc) =	sbr.rel .LBB1_1-.Ltmp0, $4  }
0x8: {  	s1 =	rddreg [dreg:$0x2];
	_ =	strace $0x80000047;
	p0 =	sne.s32 s5, $0x0  }
0x9: {  	s6 =	sshrl.u32 s6, $0x7;
	s5 =	simm.s32 $0x1;
	s7 =	simm.s32 @!p0 $0x0  }
0xa: {  	s10 =	smov.u32 s3;
	[sflag:s5] =	ssyncpa.u1 $0x0;
	s6 =	sadd.s32 s7, s6  }
0xb: {  	[sflag:s8] =	ssyncpa.u1 $0x0;
	s8 =	simm.s32 $0x0;
	s7 =	sadd.s32 $0x1, s6  }
.LBB1_9:
0xc: {  	s14 =	sadd.s32 $0x80, s10  }
0xd: {  	p1 =	sgt.s32 s14, $0x17FF  }
0xe: {  	s14 =	smov.u32 @p1 s3;
	p1 =	sne.s32 s11, s7  }
.Ltmp1:
0xf: {  	p0 =	slt.u32 s11, $0x2;
	(pc) =	sbr.rel @!p1 .LBB1_10-.Ltmp1, $4  }
0x10: {  	s13 =	simm.s32 @!p0 $0x2  }
0x11: {  	s15 =	sadd.s32 $0x1, s11;
	_ =	swait.ge @!p0 [sflag:s13], $0x4000  }
0x12: {  	s12 =	smov.u32 s10;
	s9 =	sadd.s32 $0x4000, s9;
	[sflag:s13] =	ssyncset.done @!p0 $0x0  }
0x13: {  	s11 =	smov.u32 s15;
	s10 =	smov.u32 s14;
	[sflag:s13] =	ssyncadd.s32 @!p0 $0xFFFFC000  }
.LBB1_1:
0x14: {  	p0 =	sge.u32 s11, s6  }
0x15: {  	s13 =	sxor.u32 @!p0 $0xFFFFFFFF, s11  }
0x16: {  	s31 =	sadd.s32 $0xFFFFFFFF, s11;
	s14 =	sshll.u32 @!p0 s10, $0x9;
	s13 =	sshll.u32 @!p0 s13, $0xE  }
0x17: {  	s15 =	simm.s32 @!p0 $0x0;
	s14 =	sadd.s32 @!p0 s2, s14;
	s13 =	sand.u32 @!p0 $0x4000, s13  }
0x18: {  	[tilespmem:s13], [sflag:$0x1] =	stream.linear.gather @!p0 [hbm4b:s14+s15], $0x4000, $0x38;
	[tilespmem:$0x10000] =	vst v63  }
0x19: {  	p0 =	sge.u32 s31, s6  }
.Ltmp2:
0x1a: {  	_ = 	snop;
	(pc) =	sbr.rel @p0 .LBB1_9-.Ltmp2, $1  }
0x1b: {  	_ =	sdelay $0x3  }
0x1c: {  	s14 =	sand.u32 $0x4000, s9  }
0x1d: {  	_ =	swait.ge [sflag:s5], $0x4000;
	s15 =	sshll.u32 s11, $0xE;
	s16 =	simm.s32 $0x0  }
0x1e: {  	s13 =	sor.u32 $0x40, s14;
	[sflag:s5] =	ssyncset.done $0x0;
	s15 =	sand.u32 $0x4000, s15  }
0x1f: {  	s14 =	sor.u32 $0x8040, s14;
	[sflag:s5] =	ssyncadd.s32 $0xFFFFC000;
	s15 =	sor.u32 $0x8000, s15  }
.LBB1_3:
0x20: {  	s17 =	smov.u32 s14;
	s18 =	smov.u32 s13;
	s19 =	simm.s32 $0x0  }
.LBB1_4:
0x21: {  	v0 =	vmov s17;
	v2 =	vld [tilespmem:s18+$0x30]  }
0x22: {  	v4 =	vld [tilespmem:s18+$0xFFFFFFD0]  }
0x23: {  	v6 =	vld [tilespmem:s18+$0xFFFFFFE0]  }
0x24: {  	v7 =	vld [tilespmem:s18+$0xFFFFFFF0]  }
0x25: {  	s20 =	simm.s32 $0x0;
	v1 =	vld [tilespmem:s18+$0x0]  }
0x26: {  	v3 =	vld [tilespmem:s18+$0x10];
	[tilespmem:v0+s20+$0x30 ss:$0x1] =	vst.idx.msk $0xffff, v2  }
0x27: {  	v5 =	vld [tilespmem:s18+$0x20];
	[tilespmem:v0+s20+$0xFFFFFFD0 ss:$0x1] =	vst.idx.msk $0xffff, v4  }
0x28: {  	s21 =	sadd.s32 $0x80, s18;
	v2 =	vld [tilespmem:s18+$0xFFFFFFC0];
	[tilespmem:v0+s20+$0xFFFFFFE0 ss:$0x1] =	vst.idx.msk $0xffff, v6  }
0x29: {  	s22 =	simm.s32 $0x800;
	s23 =	simm.s32 $0x1000;
	v4 =	vld [tilespmem:s21+$0x30];
	[tilespmem:v0+s20+$0xFFFFFFF0 ss:$0x1] =	vst.idx.msk $0xffff, v7  }
.LBB1_5:
0x2a: {  	p0 =	sne.s32 s23, $0x3800;
	v6 =	vld [tilespmem:s21+$0xFFFFFFD0];
	[tilespmem:v0+s20+$0x0 ss:$0x1] =	vst.idx.msk $0xffff, v1  }
0x2b: {  	v7 =	vld [tilespmem:s21+$0xFFFFFFE0];
	[tilespmem:v0+s20+$0x10 ss:$0x1] =	vst.idx.msk $0xffff, v3  }
0x2c: {  	v8 =	vld [tilespmem:s21+$0xFFFFFFF0];
	[tilespmem:v0+s20+$0x20 ss:$0x1] =	vst.idx.msk $0xffff, v5  }
.Ltmp3:
0x2d: {  	v1 =	vld [tilespmem:s21+$0x0];
	[tilespmem:v0+s20+$0xFFFFFFC0 ss:$0x1] =	vst.idx.msk $0xffff, v2;
	s20 =	sshra.s32 s22, $0x2;
	s22 =	smov.u32 s23;
	(pc) =	sbr.rel @p0 .LBB1_5-.Ltmp3, $4  }
0x2e: {  	v3 =	vld [tilespmem:s21+$0x10];
	[tilespmem:v0+s20+$0x30 ss:$0x1] =	vst.idx.msk $0xffff, v4  }
0x2f: {  	[tilespmem:v0+s20+$0xFFFFFFD0 ss:$0x1] =	vst.idx.msk $0xffff, v6;
	v5 =	vld [tilespmem:s21+$0x20]  }
0x30: {  	v2 =	vld [tilespmem:s21+$0xFFFFFFC0];
	[tilespmem:v0+s20+$0xFFFFFFE0 ss:$0x1] =	vst.idx.msk $0xffff, v7;
	s21 =	sadd.s32 $0x80, s21  }
0x31: {  	s23 =	sadd.s32 $0x800, s23;
	v4 =	vld [tilespmem:s21+$0x30];
	[tilespmem:v0+s20+$0xFFFFFFF0 ss:$0x1] =	vst.idx.msk $0xffff, v8  }
0x32: {  	_ =	sdelay $0x3  }
0x33: {  	v6 =	vld [tilespmem:s21+$0xFFFFFFD0];
	[tilespmem:v0+s20+$0x0 ss:$0x1] =	vst.idx.msk $0xffff, v1  }
0x34: {  	v58 =	vld [tilespmem:s21+$0xFFFFFFE0];
	[tilespmem:v0+s20+$0x10 ss:$0x1] =	vst.idx.msk $0xffff, v3  }
0x35: {  	v59 =	vld [tilespmem:s21+$0xFFFFFFF0];
	[tilespmem:v0+s20+$0x20 ss:$0x1] =	vst.idx.msk $0xffff, v5  }
0x36: {  	s22 =	sshra.s32 s22, $0x2;
	v60 =	vld [tilespmem:s21+$0x0];
	[tilespmem:v0+s20+$0xFFFFFFC0 ss:$0x1] =	vst.idx.msk $0xffff, v2  }
0x37: {  	v61 =	vld [tilespmem:s21+$0x10];
	[tilespmem:v0+s22+$0x30 ss:$0x1] =	vst.idx.msk $0xffff, v4  }
0x38: {  	v62 =	vld [tilespmem:s21+$0x20];
	s19 =	sadd.s32 $0x1, s19;
	[tilespmem:v0+s22+$0xFFFFFFD0 ss:$0x1] =	vst.idx.msk $0xffff, v6  }
0x39: {  	v63 =	vld [tilespmem:s21+$0xFFFFFFC0];
	p0 =	sne.s32 s19, $0x4;
	[tilespmem:v0+s22+$0xFFFFFFE0 ss:$0x1] =	vst.idx.msk $0xffff, v58  }
.Ltmp4:
0x3a: {  	[tilespmem:v0+s22+$0xFFFFFFF0 ss:$0x1] =	vst.idx.msk $0xffff, v59;
	(pc) =	sbr.rel @p0 .LBB1_4-.Ltmp4, $4  }
0x3b: {  	[tilespmem:v0+s22+$0x0 ss:$0x1] =	vst.idx.msk $0xffff, v60  }
0x3c: {  	[tilespmem:v0+s22+$0x10 ss:$0x1] =	vst.idx.msk $0xffff, v61  }
0x3d: {  	[tilespmem:v0+s22+$0x20 ss:$0x1] =	vst.idx.msk $0xffff, v62  }
0x3e: {  	s18 =	sadd.s32 $0x400, s18;
	s17 =	sadd.s32 $0x80, s17;
	[tilespmem:v0+s22+$0xFFFFFFC0 ss:$0x1] =	vst.idx.msk $0xffff, v63  }
0x3f: {  	s16 =	sadd.s32 $0x1, s16  }
0x40: {  	p0 =	sne.s32 s16, $0x4  }
.Ltmp5:
0x41: {  	_ = 	snop;
	(pc) =	sbr.rel @p0 .LBB1_3-.Ltmp5, $2  }
0x42: {  	_ =	sdelay $0x2  }
0x43: {  	s13 =	sadd.s32 $0x1000, s13;
	s14 =	sadd.s32 $0x1000, s14  }
.Ltmp6:
0x44: {  	(pc) =	sbr.rel .LBB1_9-.Ltmp6, $4  }
0x45: {  	_ = 	snop  }
0x46: {  	s12 =	sshll.u32 s12, $0x9  }
0x47: {  	s12 =	sadd.s32 s4, s12  }
0x48: {  	[hbm4b:s12+s8] =	stream.linear.scatter [tilespmem:s15], [sflag:$0x2], $0x4000, $0x38;
	[tilespmem:$0x10000] =	vst v63  }
.LBB1_10:
0x49: {  	_ =	sfence.sel $0x180000  }
0x4a: {  	s2 =	simm.s32 $0x1;
	[bflag:$0x0] =	sbarrier.arrive $0xFFFF  }
0x4b: {  	s31 =	simm.s32 $0x2;
	[sflag:s2] =	ssyncpa.u1 $0x1  }
0x4c: {  	[sflag:s31] =	ssyncpa.u1 $0x1  }
0x4d: {  	p0 =	sne.s32 s0, $0x0;
	_ =	strace $0x90000047  }
0x4e: {  	s0 =	sadd.s32 @!p0 $0x100000, s1;
	[bflag:$0x2] =	sbarrier.arrive $0xFFFF  }
0x4f: {  	[sflag:s0] =	ssyncadd.tile.s32 @!p0 $0x1;
	_ =	shalt  }
.Lfunc_end1:
_tile_overlayer_lowered:
.L_overlay_start_2:
0x50: {  	(tag) =	ssettag $0x2  }
0x51: {  	s0 =	rddreg [dreg:$0x0];
	s2 =	stileid.u32  }
0x52: {  	s1 =	rddreg [dreg:$0x1];
	p0 =	sne.s32 s2, $0x0  }
0x53: {  	s3 =	rddreg [dreg:$0x2];
	[bflag:$0x3] =	sbarrier.arrive $0xFFFF;
	s2 =	simm.s32 @!p0 $0x1C01  }
0x54: {  	[timem:s3], [sflag:s2] =	dma.local @!p0 [hbm:s0], s1  }
0x55: {  	s0 =	simm.s32 @!p0 $0x1  }
0x56: {  	_ =	swait.ge @!p0 [sflag:s0], s1  }
0x57: {  	s1 =	ssub.s32 @!p0 $0x0, s1;
	[sflag:s0] =	ssyncset.done @!p0 $0x0  }
0x58: {  	[sflag:s0] =	ssyncadd.s32 @!p0 s1  }
0x59: {  	[bflag:$0x3] =	sbarrier.arrive $0xFFFF  }
0x5a: {  	_ =	shalt  }

</sc_bundles>
